<compile_context>
chip_gen: v7x
topology: tpu7x:2x2x1
jax: 0.10.2.dev20260603
libtpu: 0.0.44.dev20260713+nightly
codegen_flags: <defaults>
</compile_context>

<pallas_src>
import functools

import jax
import jax.numpy as jnp
from jax import lax
from jax.experimental import pallas as pl
from jax.experimental.pallas import tpu as pltpu
from jax.experimental.pallas import tpu_sc as plsc


def _build(n_rows, n_cols):
    info = plsc.get_sparse_core_info()
    NC, NS, L = info.num_cores, info.num_subcores, info.num_lanes
    NW = NC * NS
    rows_per_w = n_rows // NW
    R = 8
    n_chunks = rows_per_w // R
    n_grp = n_cols // L

    mesh = plsc.VectorSubcoreMesh(core_axis_name="c", subcore_axis_name="s")

    @functools.partial(
        pl.kernel,
        mesh=mesh,
        out_type=jax.ShapeDtypeStruct((n_rows, n_cols), jnp.float32),
        compiler_params=pltpu.CompilerParams(needs_layout_passes=False),
        scratch_types=[
            pltpu.VMEM((n_cols,), jnp.int32),
            pltpu.VMEM((R, n_cols), jnp.float32),
            pltpu.VMEM((R, n_cols), jnp.float32),
            pltpu.VMEM((R, n_cols), jnp.float32),
            pltpu.VMEM((R, n_cols), jnp.float32),
            pltpu.SemaphoreType.DMA,
            pltpu.SemaphoreType.DMA,
            pltpu.SemaphoreType.DMA,
            pltpu.SemaphoreType.DMA,
        ],
    )
    def k(x_hbm, perm_hbm, out_hbm, perm_v, i0, i1, o0, o1, si0, si1, so0, so1):
        wid = lax.axis_index("s") * NC + lax.axis_index("c")
        row0 = wid * rows_per_w
        pltpu.sync_copy(perm_hbm, perm_v)
        lane = lax.iota(jnp.int32, L)

        ibufs = (i0, i1)
        obufs = (o0, o1)
        isems = (si0, si1)
        osems = (so0, so1)

        def start_in(ch, b):
            pltpu.async_copy(x_hbm.at[pl.ds(row0 + ch * R, R)], ibufs[b], isems[b])

        def permute_chunk(ib, ob):
            @plsc.parallel_loop(0, n_grp, 1, unroll=2)
            def _(j):
                pidx = perm_v[pl.ds(j * L, L)]
                out_lane = lane + j * L
                vals = [
                    plsc.load_gather(ib, [jnp.full((L,), r, jnp.int32), pidx])
                    for r in range(R)
                ]
                for r in range(R):
                    ridx = jnp.full((L,), r, jnp.int32)
                    plsc.store_scatter(ob, [ridx, out_lane], vals[r])

        start_in(0, 0)
        start_in(1, 1)

        def outer(c2, carry):
            for b in range(2):
                ch = c2 * 2 + b
                pltpu.make_async_copy(x_hbm.at[pl.ds(0, R)], ibufs[b], isems[b]).wait()

                @pl.when(c2 > 0)
                def _():
                    pltpu.make_async_copy(
                        obufs[b], out_hbm.at[pl.ds(0, R)], osems[b]
                    ).wait()

                permute_chunk(ibufs[b], obufs[b])
                pltpu.async_copy(
                    obufs[b], out_hbm.at[pl.ds(row0 + ch * R, R)], osems[b]
                )

                @pl.when(ch + 2 < n_chunks)
                def _():
                    start_in(ch + 2, b)

            return carry

        lax.fori_loop(0, n_chunks // 2, outer, 0)

        for b in range(2):
            pltpu.make_async_copy(obufs[b], out_hbm.at[pl.ds(0, R)], osems[b]).wait()

    return k


def kernel(x, perm):
    n_rows, n_cols = x.shape
    out = _build(n_rows, n_cols)(x, perm)
    return (out, 0.0)

# --- scband reference (transcript-rebuilt; emitter-appended) ---
"""Pipeline reference for scband-permutation-layer-14439680049608 (READ-ONLY COPY).

The authoritative reference and input builder live on the scoring server;
editing this copy changes nothing except your own understanding.
"""

import jax, jax.numpy as jnp
import numpy as np

N_DIM = 2048

def setup_inputs(seed: int = 0) -> dict:
    key = jax.random.key(seed)
    x = jax.random.normal(key, (16384, N_DIM), dtype=jnp.float32)
    # buffer from __init__: torch.flip(torch.arange(n_dim), dims=(0,))
    perm = jnp.flip(jnp.arange(N_DIM, dtype=jnp.int32))
    return {"x": x, "perm": perm}

def reference(x, perm):
    # x[:, self.permutation] -> gather along axis 1
    out = jnp.take(x, perm, axis=1)
    return (out, 0.0)

if __name__ == "__main__":
    import jax
    _d = setup_inputs()
    print(jax.jit(kernel)(*tuple(_d.values())))

</pallas_src>

<mosaic_0001>
#map = affine_map<(d0, d1) -> (0, 0)>
#map1 = affine_map<(d0, d1) -> (0)>
module attributes {stable_mosaic.version = 14 : i64} {
  func.func @k(%arg0: i32, %arg1: i32, %arg2: memref<16384x2048xf32, #tpu.memory_space<hbm>>, %arg3: memref<2048xi32, #tpu.memory_space<hbm>>, %arg4: memref<16384x2048xf32, #tpu.memory_space<hbm>>, %arg5: memref<2048xi32, #tpu.memory_space<vmem>>, %arg6: memref<8x2048xf32, #tpu.memory_space<vmem>>, %arg7: memref<8x2048xf32, #tpu.memory_space<vmem>>, %arg8: memref<8x2048xf32, #tpu.memory_space<vmem>>, %arg9: memref<8x2048xf32, #tpu.memory_space<vmem>>, %arg10: memref<!tpu.dma_semaphore, #tpu.memory_space<semaphore_mem>>, %arg11: memref<!tpu.dma_semaphore, #tpu.memory_space<semaphore_mem>>, %arg12: memref<!tpu.dma_semaphore, #tpu.memory_space<semaphore_mem>>, %arg13: memref<!tpu.dma_semaphore, #tpu.memory_space<semaphore_mem>>) attributes {dimension_semantics = [#tpu.dimension_semantics<core_parallel>, #tpu.dimension_semantics<subcore_parallel>], iteration_bounds = array<i64: 2, 16>, scalar_prefetch = 0 : i64, scratch_operands = 9 : i64, tpu.core_type = #tpu.core_type<sc_vector_subcore>, window_params = [{transform_indices = #map}, {transform_indices = #map1}, {transform_indices = #map}]} {
    %mul3A = arith.constant 2 : i32
    %mul3A_0 = arith.muli %arg1, %mul3A : i32
    %add3A = arith.addi %mul3A_0, %arg0 : i32
    %mul3A_1 = arith.constant 512 : i32
    %mul3A_2 = arith.muli %add3A, %mul3A_1 : i32
    "tpu.region"() ({
      %run_scoped3A = tpu.sem_alloc : memref<!tpu.dma_semaphore, #tpu.memory_space<semaphore_mem>>
      tpu.enqueue_dma source(%arg3 : memref<2048xi32, #tpu.memory_space<hbm>>) target(%arg5 : memref<2048xi32, #tpu.memory_space<vmem>>) target_semaphore(%run_scoped3A : memref<!tpu.dma_semaphore, #tpu.memory_space<semaphore_mem>>)
      tpu.wait_dma2 semaphore(%run_scoped3A : memref<!tpu.dma_semaphore, #tpu.memory_space<semaphore_mem>>) src(%arg3 : memref<2048xi32, #tpu.memory_space<hbm>>) dst(%arg5 : memref<2048xi32, #tpu.memory_space<vmem>>)
      tpu.yield
    }) : () -> ()
    %iota3A = tpu.iota {dimensions = array<i32: 0>} : vector<16xi32>
    %add3A_3 = arith.constant 0 : i32
    %add3A_4 = arith.addi %mul3A_2, %add3A_3 : i32
    %dma_start3A = arith.constant 0 : i32
    %dma_start3A_5 = tpu.memref_slice %arg2[%add3A_4, %dma_start3A] : memref<16384x2048xf32, #tpu.memory_space<hbm>> -> memref<8x2048xf32, #tpu.memory_space<hbm>>
    %dma_start3A_6 = arith.constant 0 : i32
    %dma_start3A_7 = tpu.memref_slice %arg2[%add3A_4, %dma_start3A_6] : memref<16384x2048xf32, #tpu.memory_space<hbm>> -> memref<8x2048xf32, #tpu.memory_space<hbm>>
    tpu.enqueue_dma source(%dma_start3A_7 : memref<8x2048xf32, #tpu.memory_space<hbm>>) target(%arg6 : memref<8x2048xf32, #tpu.memory_space<vmem>>) target_semaphore(%arg10 : memref<!tpu.dma_semaphore, #tpu.memory_space<semaphore_mem>>)
    %add3A_8 = arith.constant 8 : i32
    %add3A_9 = arith.addi %mul3A_2, %add3A_8 : i32
    %dma_start3A_10 = arith.constant 0 : i32
    %dma_start3A_11 = tpu.memref_slice %arg2[%add3A_9, %dma_start3A_10] : memref<16384x2048xf32, #tpu.memory_space<hbm>> -> memref<8x2048xf32, #tpu.memory_space<hbm>>
    %dma_start3A_12 = arith.constant 0 : i32
    %dma_start3A_13 = tpu.memref_slice %arg2[%add3A_9, %dma_start3A_12] : memref<16384x2048xf32, #tpu.memory_space<hbm>> -> memref<8x2048xf32, #tpu.memory_space<hbm>>
    tpu.enqueue_dma source(%dma_start3A_13 : memref<8x2048xf32, #tpu.memory_space<hbm>>) target(%arg7 : memref<8x2048xf32, #tpu.memory_space<vmem>>) target_semaphore(%arg11 : memref<!tpu.dma_semaphore, #tpu.memory_space<semaphore_mem>>)
    %scan3A = arith.constant 0 : i32
    %scan3A_14 = arith.constant 0 : i32
    %scan3A_15 = arith.constant 32 : i32
    %scan3A_16 = arith.addi %scan3A_14, %scan3A_15 : i32
    %scan3A_17 = arith.constant 1 : i32
    scf.for %scan3A_30 = %scan3A_14 to %scan3A_16 step %scan3A_17  : i32 {
      %mul3A_31 = arith.constant 2 : i32
      %mul3A_32 = arith.muli %scan3A_30, %mul3A_31 : i32
      %add3A_33 = arith.constant 0 : i32
      %add3A_34 = arith.addi %mul3A_32, %add3A_33 : i32
      %dma_wait3A_35 = arith.constant 0 : i32
      %dma_wait3A_36 = arith.constant 0 : i32
      %dma_wait3A_37 = tpu.memref_slice %arg2[%dma_wait3A_35, %dma_wait3A_36] : memref<16384x2048xf32, #tpu.memory_space<hbm>> -> memref<8x2048xf32, #tpu.memory_space<hbm>>
      %dma_wait3A_38 = arith.constant 0 : i32
      %dma_wait3A_39 = arith.constant 0 : i32
      %dma_wait3A_40 = tpu.memref_slice %arg2[%dma_wait3A_38, %dma_wait3A_39] : memref<16384x2048xf32, #tpu.memory_space<hbm>> -> memref<8x2048xf32, #tpu.memory_space<hbm>>
      tpu.wait_dma2 semaphore(%arg10 : memref<!tpu.dma_semaphore, #tpu.memory_space<semaphore_mem>>) src(%dma_wait3A_40 : memref<8x2048xf32, #tpu.memory_space<hbm>>) dst(%arg6 : memref<8x2048xf32, #tpu.memory_space<vmem>>)
      %gt3A = arith.constant 0 : i32
      %gt3A_41 = arith.cmpi sgt, %scan3A_30, %gt3A : i32
      %convert_element_type3A = arith.extui %gt3A_41 : i1 to i32
      %cond3A = arith.constant 0 : i32
      %cond3A_42 = arith.cmpi ne, %convert_element_type3A, %cond3A : i32
      scf.if %cond3A_42 {
        %dma_wait3A_90 = arith.constant 0 : i32
        %dma_wait3A_91 = arith.constant 0 : i32
        %dma_wait3A_92 = tpu.memref_slice %arg4[%dma_wait3A_90, %dma_wait3A_91] : memref<16384x2048xf32, #tpu.memory_space<hbm>> -> memref<8x2048xf32, #tpu.memory_space<hbm>>
        %dma_wait3A_93 = arith.constant 0 : i32
        %dma_wait3A_94 = arith.constant 0 : i32
        %dma_wait3A_95 = tpu.memref_slice %arg4[%dma_wait3A_93, %dma_wait3A_94] : memref<16384x2048xf32, #tpu.memory_space<hbm>> -> memref<8x2048xf32, #tpu.memory_space<hbm>>
        tpu.wait_dma2 semaphore(%arg12 : memref<!tpu.dma_semaphore, #tpu.memory_space<semaphore_mem>>) src(%arg8 : memref<8x2048xf32, #tpu.memory_space<vmem>>) dst(%dma_wait3A_95 : memref<8x2048xf32, #tpu.memory_space<hbm>>)
      } else {
      }
      %parallel_loop3A = arith.constant 0 : i32
      %parallel_loop3A_43 = arith.constant 128 : i32
      %parallel_loop3A_44 = arith.constant 1 : i32
      scf.for %parallel_loop3A_90 = %parallel_loop3A to %parallel_loop3A_43 step %parallel_loop3A_44  : i32 {
        %parallel_loop3A_91 = arith.constant 16 : i32
        %parallel_loop3A_92 = arith.muli %parallel_loop3A_90, %parallel_loop3A_91 : i32
        %parallel_loop3A_93 = arith.index_cast %parallel_loop3A_92 : i32 to index
        %parallel_loop3A_94 = tpu.vector_load %arg5[%parallel_loop3A_93] {strides = array<i32>} : memref<2048xi32, #tpu.memory_space<vmem>>, vector<16xi32>,
        %parallel_loop3A_95 = arith.constant 16 : i32
        %parallel_loop3A_96 = arith.muli %parallel_loop3A_90, %parallel_loop3A_95 : i32
        %parallel_loop3A_97 = vector.broadcast %parallel_loop3A_96 : i32 to vector<16xi32>
        %parallel_loop3A_98 = arith.addi %iota3A, %parallel_loop3A_97 : vector<16xi32>
        %parallel_loop3A_99 = arith.constant 0 : i32
        %parallel_loop3A_100 = vector.broadcast %parallel_loop3A_99 : i32 to vector<16xi32>
        %parallel_loop3A_101 = tpu.vector_load_idx %arg6[%parallel_loop3A_100, %parallel_loop3A_94] : memref<8x2048xf32, #tpu.memory_space<vmem>>[vector<16xi32>, vector<16xi32>], vector<16xf32>,
        %parallel_loop3A_102 = arith.constant 1 : i32
        %parallel_loop3A_103 = vector.broadcast %parallel_loop3A_102 : i32 to vector<16xi32>
        %parallel_loop3A_104 = tpu.vector_load_idx %arg6[%parallel_loop3A_103, %parallel_loop3A_94] : memref<8x2048xf32, #tpu.memory_space<vmem>>[vector<16xi32>, vector<16xi32>], vector<16xf32>,
        %parallel_loop3A_105 = arith.constant 2 : i32
        %parallel_loop3A_106 = vector.broadcast %parallel_loop3A_105 : i32 to vector<16xi32>
        %parallel_loop3A_107 = tpu.vector_load_idx %arg6[%parallel_loop3A_106, %parallel_loop3A_94] : memref<8x2048xf32, #tpu.memory_space<vmem>>[vector<16xi32>, vector<16xi32>], vector<16xf32>,
        %parallel_loop3A_108 = arith.constant 3 : i32
        %parallel_loop3A_109 = vector.broadcast %parallel_loop3A_108 : i32 to vector<16xi32>
        %parallel_loop3A_110 = tpu.vector_load_idx %arg6[%parallel_loop3A_109, %parallel_loop3A_94] : memref<8x2048xf32, #tpu.memory_space<vmem>>[vector<16xi32>, vector<16xi32>], vector<16xf32>,
        %parallel_loop3A_111 = arith.constant 4 : i32
        %parallel_loop3A_112 = vector.broadcast %parallel_loop3A_111 : i32 to vector<16xi32>
        %parallel_loop3A_113 = tpu.vector_load_idx %arg6[%parallel_loop3A_112, %parallel_loop3A_94] : memref<8x2048xf32, #tpu.memory_space<vmem>>[vector<16xi32>, vector<16xi32>], vector<16xf32>,
        %parallel_loop3A_114 = arith.constant 5 : i32
        %parallel_loop3A_115 = vector.broadcast %parallel_loop3A_114 : i32 to vector<16xi32>
        %parallel_loop3A_116 = tpu.vector_load_idx %arg6[%parallel_loop3A_115, %parallel_loop3A_94] : memref<8x2048xf32, #tpu.memory_space<vmem>>[vector<16xi32>, vector<16xi32>], vector<16xf32>,
        %parallel_loop3A_117 = arith.constant 6 : i32
        %parallel_loop3A_118 = vector.broadcast %parallel_loop3A_117 : i32 to vector<16xi32>
        %parallel_loop3A_119 = tpu.vector_load_idx %arg6[%parallel_loop3A_118, %parallel_loop3A_94] : memref<8x2048xf32, #tpu.memory_space<vmem>>[vector<16xi32>, vector<16xi32>], vector<16xf32>,
        %parallel_loop3A_120 = arith.constant 7 : i32
        %parallel_loop3A_121 = vector.broadcast %parallel_loop3A_120 : i32 to vector<16xi32>
        %parallel_loop3A_122 = tpu.vector_load_idx %arg6[%parallel_loop3A_121, %parallel_loop3A_94] : memref<8x2048xf32, #tpu.memory_space<vmem>>[vector<16xi32>, vector<16xi32>], vector<16xf32>,
        %parallel_loop3A_123 = arith.constant 0 : i32
        %parallel_loop3A_124 = vector.broadcast %parallel_loop3A_123 : i32 to vector<16xi32>
        tpu.vector_store_idx %arg8[%parallel_loop3A_124, %parallel_loop3A_98], %parallel_loop3A_101 : memref<8x2048xf32, #tpu.memory_space<vmem>>[vector<16xi32>, vector<16xi32>], vector<16xf32>,
        %parallel_loop3A_125 = arith.constant 1 : i32
        %parallel_loop3A_126 = vector.broadcast %parallel_loop3A_125 : i32 to vector<16xi32>
        tpu.vector_store_idx %arg8[%parallel_loop3A_126, %parallel_loop3A_98], %parallel_loop3A_104 : memref<8x2048xf32, #tpu.memory_space<vmem>>[vector<16xi32>, vector<16xi32>], vector<16xf32>,
        %parallel_loop3A_127 = arith.constant 2 : i32
        %parallel_loop3A_128 = vector.broadcast %parallel_loop3A_127 : i32 to vector<16xi32>
        tpu.vector_store_idx %arg8[%parallel_loop3A_128, %parallel_loop3A_98], %parallel_loop3A_107 : memref<8x2048xf32, #tpu.memory_space<vmem>>[vector<16xi32>, vector<16xi32>], vector<16xf32>,
        %parallel_loop3A_129 = arith.constant 3 : i32
        %parallel_loop3A_130 = vector.broadcast %parallel_loop3A_129 : i32 to vector<16xi32>
        tpu.vector_store_idx %arg8[%parallel_loop3A_130, %parallel_loop3A_98], %parallel_loop3A_110 : memref<8x2048xf32, #tpu.memory_space<vmem>>[vector<16xi32>, vector<16xi32>], vector<16xf32>,
        %parallel_loop3A_131 = arith.constant 4 : i32
        %parallel_loop3A_132 = vector.broadcast %parallel_loop3A_131 : i32 to vector<16xi32>
        tpu.vector_store_idx %arg8[%parallel_loop3A_132, %parallel_loop3A_98], %parallel_loop3A_113 : memref<8x2048xf32, #tpu.memory_space<vmem>>[vector<16xi32>, vector<16xi32>], vector<16xf32>,
        %parallel_loop3A_133 = arith.constant 5 : i32
        %parallel_loop3A_134 = vector.broadcast %parallel_loop3A_133 : i32 to vector<16xi32>
        tpu.vector_store_idx %arg8[%parallel_loop3A_134, %parallel_loop3A_98], %parallel_loop3A_116 : memref<8x2048xf32, #tpu.memory_space<vmem>>[vector<16xi32>, vector<16xi32>], vector<16xf32>,
        %parallel_loop3A_135 = arith.constant 6 : i32
        %parallel_loop3A_136 = vector.broadcast %parallel_loop3A_135 : i32 to vector<16xi32>
        tpu.vector_store_idx %arg8[%parallel_loop3A_136, %parallel_loop3A_98], %parallel_loop3A_119 : memref<8x2048xf32, #tpu.memory_space<vmem>>[vector<16xi32>, vector<16xi32>], vector<16xf32>,
        %parallel_loop3A_137 = arith.constant 7 : i32
        %parallel_loop3A_138 = vector.broadcast %parallel_loop3A_137 : i32 to vector<16xi32>
        tpu.vector_store_idx %arg8[%parallel_loop3A_138, %parallel_loop3A_98], %parallel_loop3A_122 : memref<8x2048xf32, #tpu.memory_space<vmem>>[vector<16xi32>, vector<16xi32>], vector<16xf32>,
      } {sc.loop_unroll_factor = 2 : i64, sc.parallel_access}
      %mul3A_45 = arith.constant 8 : i32
      %mul3A_46 = arith.muli %add3A_34, %mul3A_45 : i32
      %add3A_47 = arith.addi %mul3A_2, %mul3A_46 : i32
      %dma_start3A_48 = arith.constant 0 : i32
      %dma_start3A_49 = tpu.memref_slice %arg4[%add3A_47, %dma_start3A_48] : memref<16384x2048xf32, #tpu.memory_space<hbm>> -> memref<8x2048xf32, #tpu.memory_space<hbm>>
      %dma_start3A_50 = arith.constant 0 : i32
      %dma_start3A_51 = tpu.memref_slice %arg4[%add3A_47, %dma_start3A_50] : memref<16384x2048xf32, #tpu.memory_space<hbm>> -> memref<8x2048xf32, #tpu.memory_space<hbm>>
      tpu.enqueue_dma source(%arg8 : memref<8x2048xf32, #tpu.memory_space<vmem>>) target(%dma_start3A_51 : memref<8x2048xf32, #tpu.memory_space<hbm>>) target_semaphore(%arg12 : memref<!tpu.dma_semaphore, #tpu.memory_space<semaphore_mem>>)
      %add3A_52 = arith.constant 2 : i32
      %add3A_53 = arith.addi %add3A_34, %add3A_52 : i32
      %lt3A = arith.constant 64 : i32
      %lt3A_54 = arith.cmpi slt, %add3A_53, %lt3A : i32
      %convert_element_type3A_55 = arith.extui %lt3A_54 : i1 to i32
      %cond3A_56 = arith.constant 0 : i32
      %cond3A_57 = arith.cmpi ne, %convert_element_type3A_55, %cond3A_56 : i32
      scf.if %cond3A_57 {
        %add3A_90 = arith.constant 2 : i32
        %add3A_91 = arith.addi %add3A_34, %add3A_90 : i32
        %mul3A_92 = arith.constant 8 : i32
        %mul3A_93 = arith.muli %add3A_91, %mul3A_92 : i32
        %add3A_94 = arith.addi %mul3A_2, %mul3A_93 : i32
        %dma_start3A_95 = arith.constant 0 : i32
        %dma_start3A_96 = tpu.memref_slice %arg2[%add3A_94, %dma_start3A_95] : memref<16384x2048xf32, #tpu.memory_space<hbm>> -> memref<8x2048xf32, #tpu.memory_space<hbm>>
        %dma_start3A_97 = arith.constant 0 : i32
        %dma_start3A_98 = tpu.memref_slice %arg2[%add3A_94, %dma_start3A_97] : memref<16384x2048xf32, #tpu.memory_space<hbm>> -> memref<8x2048xf32, #tpu.memory_space<hbm>>
        tpu.enqueue_dma source(%dma_start3A_98 : memref<8x2048xf32, #tpu.memory_space<hbm>>) target(%arg6 : memref<8x2048xf32, #tpu.memory_space<vmem>>) target_semaphore(%arg10 : memref<!tpu.dma_semaphore, #tpu.memory_space<semaphore_mem>>)
      } else {
      }
      %mul3A_58 = arith.constant 2 : i32
      %mul3A_59 = arith.muli %scan3A_30, %mul3A_58 : i32
      %add3A_60 = arith.constant 1 : i32
      %add3A_61 = arith.addi %mul3A_59, %add3A_60 : i32
      %dma_wait3A_62 = arith.constant 0 : i32
      %dma_wait3A_63 = arith.constant 0 : i32
      %dma_wait3A_64 = tpu.memref_slice %arg2[%dma_wait3A_62, %dma_wait3A_63] : memref<16384x2048xf32, #tpu.memory_space<hbm>> -> memref<8x2048xf32, #tpu.memory_space<hbm>>
      %dma_wait3A_65 = arith.constant 0 : i32
      %dma_wait3A_66 = arith.constant 0 : i32
      %dma_wait3A_67 = tpu.memref_slice %arg2[%dma_wait3A_65, %dma_wait3A_66] : memref<16384x2048xf32, #tpu.memory_space<hbm>> -> memref<8x2048xf32, #tpu.memory_space<hbm>>
      tpu.wait_dma2 semaphore(%arg11 : memref<!tpu.dma_semaphore, #tpu.memory_space<semaphore_mem>>) src(%dma_wait3A_67 : memref<8x2048xf32, #tpu.memory_space<hbm>>) dst(%arg7 : memref<8x2048xf32, #tpu.memory_space<vmem>>)
      %gt3A_68 = arith.constant 0 : i32
      %gt3A_69 = arith.cmpi sgt, %scan3A_30, %gt3A_68 : i32
      %convert_element_type3A_70 = arith.extui %gt3A_69 : i1 to i32
      %cond3A_71 = arith.constant 0 : i32
      %cond3A_72 = arith.cmpi ne, %convert_element_type3A_70, %cond3A_71 : i32
      scf.if %cond3A_72 {
        %dma_wait3A_90 = arith.constant 0 : i32
        %dma_wait3A_91 = arith.constant 0 : i32
        %dma_wait3A_92 = tpu.memref_slice %arg4[%dma_wait3A_90, %dma_wait3A_91] : memref<16384x2048xf32, #tpu.memory_space<hbm>> -> memref<8x2048xf32, #tpu.memory_space<hbm>>
        %dma_wait3A_93 = arith.constant 0 : i32
        %dma_wait3A_94 = arith.constant 0 : i32
        %dma_wait3A_95 = tpu.memref_slice %arg4[%dma_wait3A_93, %dma_wait3A_94] : memref<16384x2048xf32, #tpu.memory_space<hbm>> -> memref<8x2048xf32, #tpu.memory_space<hbm>>
        tpu.wait_dma2 semaphore(%arg13 : memref<!tpu.dma_semaphore, #tpu.memory_space<semaphore_mem>>) src(%arg9 : memref<8x2048xf32, #tpu.memory_space<vmem>>) dst(%dma_wait3A_95 : memref<8x2048xf32, #tpu.memory_space<hbm>>)
      } else {
      }
      %parallel_loop3A_73 = arith.constant 0 : i32
      %parallel_loop3A_74 = arith.constant 128 : i32
      %parallel_loop3A_75 = arith.constant 1 : i32
      scf.for %parallel_loop3A_90 = %parallel_loop3A_73 to %parallel_loop3A_74 step %parallel_loop3A_75  : i32 {
        %parallel_loop3A_91 = arith.constant 16 : i32
        %parallel_loop3A_92 = arith.muli %parallel_loop3A_90, %parallel_loop3A_91 : i32
        %parallel_loop3A_93 = arith.index_cast %parallel_loop3A_92 : i32 to index
        %parallel_loop3A_94 = tpu.vector_load %arg5[%parallel_loop3A_93] {strides = array<i32>} : memref<2048xi32, #tpu.memory_space<vmem>>, vector<16xi32>,
        %parallel_loop3A_95 = arith.constant 16 : i32
        %parallel_loop3A_96 = arith.muli %parallel_loop3A_90, %parallel_loop3A_95 : i32
        %parallel_loop3A_97 = vector.broadcast %parallel_loop3A_96 : i32 to vector<16xi32>
        %parallel_loop3A_98 = arith.addi %iota3A, %parallel_loop3A_97 : vector<16xi32>
        %parallel_loop3A_99 = arith.constant 0 : i32
        %parallel_loop3A_100 = vector.broadcast %parallel_loop3A_99 : i32 to vector<16xi32>
        %parallel_loop3A_101 = tpu.vector_load_idx %arg7[%parallel_loop3A_100, %parallel_loop3A_94] : memref<8x2048xf32, #tpu.memory_space<vmem>>[vector<16xi32>, vector<16xi32>], vector<16xf32>,
        %parallel_loop3A_102 = arith.constant 1 : i32
        %parallel_loop3A_103 = vector.broadcast %parallel_loop3A_102 : i32 to vector<16xi32>
        %parallel_loop3A_104 = tpu.vector_load_idx %arg7[%parallel_loop3A_103, %parallel_loop3A_94] : memref<8x2048xf32, #tpu.memory_space<vmem>>[vector<16xi32>, vector<16xi32>], vector<16xf32>,
        %parallel_loop3A_105 = arith.constant 2 : i32
        %parallel_loop3A_106 = vector.broadcast %parallel_loop3A_105 : i32 to vector<16xi32>
        %parallel_loop3A_107 = tpu.vector_load_idx %arg7[%parallel_loop3A_106, %parallel_loop3A_94] : memref<8x2048xf32, #tpu.memory_space<vmem>>[vector<16xi32>, vector<16xi32>], vector<16xf32>,
        %parallel_loop3A_108 = arith.constant 3 : i32
        %parallel_loop3A_109 = vector.broadcast %parallel_loop3A_108 : i32 to vector<16xi32>
        %parallel_loop3A_110 = tpu.vector_load_idx %arg7[%parallel_loop3A_109, %parallel_loop3A_94] : memref<8x2048xf32, #tpu.memory_space<vmem>>[vector<16xi32>, vector<16xi32>], vector<16xf32>,
        %parallel_loop3A_111 = arith.constant 4 : i32
        %parallel_loop3A_112 = vector.broadcast %parallel_loop3A_111 : i32 to vector<16xi32>
        %parallel_loop3A_113 = tpu.vector_load_idx %arg7[%parallel_loop3A_112, %parallel_loop3A_94] : memref<8x2048xf32, #tpu.memory_space<vmem>>[vector<16xi32>, vector<16xi32>], vector<16xf32>,
        %parallel_loop3A_114 = arith.constant 5 : i32
        %parallel_loop3A_115 = vector.broadcast %parallel_loop3A_114 : i32 to vector<16xi32>
        %parallel_loop3A_116 = tpu.vector_load_idx %arg7[%parallel_loop3A_115, %parallel_loop3A_94] : memref<8x2048xf32, #tpu.memory_space<vmem>>[vector<16xi32>, vector<16xi32>], vector<16xf32>,
        %parallel_loop3A_117 = arith.constant 6 : i32
        %parallel_loop3A_118 = vector.broadcast %parallel_loop3A_117 : i32 to vector<16xi32>
        %parallel_loop3A_119 = tpu.vector_load_idx %arg7[%parallel_loop3A_118, %parallel_loop3A_94] : memref<8x2048xf32, #tpu.memory_space<vmem>>[vector<16xi32>, vector<16xi32>], vector<16xf32>,
        %parallel_loop3A_120 = arith.constant 7 : i32
        %parallel_loop3A_121 = vector.broadcast %parallel_loop3A_120 : i32 to vector<16xi32>
        %parallel_loop3A_122 = tpu.vector_load_idx %arg7[%parallel_loop3A_121, %parallel_loop3A_94] : memref<8x2048xf32, #tpu.memory_space<vmem>>[vector<16xi32>, vector<16xi32>], vector<16xf32>,
        %parallel_loop3A_123 = arith.constant 0 : i32
        %parallel_loop3A_124 = vector.broadcast %parallel_loop3A_123 : i32 to vector<16xi32>
        tpu.vector_store_idx %arg9[%parallel_loop3A_124, %parallel_loop3A_98], %parallel_loop3A_101 : memref<8x2048xf32, #tpu.memory_space<vmem>>[vector<16xi32>, vector<16xi32>], vector<16xf32>,
        %parallel_loop3A_125 = arith.constant 1 : i32
        %parallel_loop3A_126 = vector.broadcast %parallel_loop3A_125 : i32 to vector<16xi32>
        tpu.vector_store_idx %arg9[%parallel_loop3A_126, %parallel_loop3A_98], %parallel_loop3A_104 : memref<8x2048xf32, #tpu.memory_space<vmem>>[vector<16xi32>, vector<16xi32>], vector<16xf32>,
        %parallel_loop3A_127 = arith.constant 2 : i32
        %parallel_loop3A_128 = vector.broadcast %parallel_loop3A_127 : i32 to vector<16xi32>
        tpu.vector_store_idx %arg9[%parallel_loop3A_128, %parallel_loop3A_98], %parallel_loop3A_107 : memref<8x2048xf32, #tpu.memory_space<vmem>>[vector<16xi32>, vector<16xi32>], vector<16xf32>,
        %parallel_loop3A_129 = arith.constant 3 : i32
        %parallel_loop3A_130 = vector.broadcast %parallel_loop3A_129 : i32 to vector<16xi32>
        tpu.vector_store_idx %arg9[%parallel_loop3A_130, %parallel_loop3A_98], %parallel_loop3A_110 : memref<8x2048xf32, #tpu.memory_space<vmem>>[vector<16xi32>, vector<16xi32>], vector<16xf32>,
        %parallel_loop3A_131 = arith.constant 4 : i32
        %parallel_loop3A_132 = vector.broadcast %parallel_loop3A_131 : i32 to vector<16xi32>
        tpu.vector_store_idx %arg9[%parallel_loop3A_132, %parallel_loop3A_98], %parallel_loop3A_113 : memref<8x2048xf32, #tpu.memory_space<vmem>>[vector<16xi32>, vector<16xi32>], vector<16xf32>,
        %parallel_loop3A_133 = arith.constant 5 : i32
        %parallel_loop3A_134 = vector.broadcast %parallel_loop3A_133 : i32 to vector<16xi32>
        tpu.vector_store_idx %arg9[%parallel_loop3A_134, %parallel_loop3A_98], %parallel_loop3A_116 : memref<8x2048xf32, #tpu.memory_space<vmem>>[vector<16xi32>, vector<16xi32>], vector<16xf32>,
        %parallel_loop3A_135 = arith.constant 6 : i32
        %parallel_loop3A_136 = vector.broadcast %parallel_loop3A_135 : i32 to vector<16xi32>
        tpu.vector_store_idx %arg9[%parallel_loop3A_136, %parallel_loop3A_98], %parallel_loop3A_119 : memref<8x2048xf32, #tpu.memory_space<vmem>>[vector<16xi32>, vector<16xi32>], vector<16xf32>,
        %parallel_loop3A_137 = arith.constant 7 : i32
        %parallel_loop3A_138 = vector.broadcast %parallel_loop3A_137 : i32 to vector<16xi32>
        tpu.vector_store_idx %arg9[%parallel_loop3A_138, %parallel_loop3A_98], %parallel_loop3A_122 : memref<8x2048xf32, #tpu.memory_space<vmem>>[vector<16xi32>, vector<16xi32>], vector<16xf32>,
      } {sc.loop_unroll_factor = 2 : i64, sc.parallel_access}
      %mul3A_76 = arith.constant 8 : i32
      %mul3A_77 = arith.muli %add3A_61, %mul3A_76 : i32
      %add3A_78 = arith.addi %mul3A_2, %mul3A_77 : i32
      %dma_start3A_79 = arith.constant 0 : i32
      %dma_start3A_80 = tpu.memref_slice %arg4[%add3A_78, %dma_start3A_79] : memref<16384x2048xf32, #tpu.memory_space<hbm>> -> memref<8x2048xf32, #tpu.memory_space<hbm>>
      %dma_start3A_81 = arith.constant 0 : i32
      %dma_start3A_82 = tpu.memref_slice %arg4[%add3A_78, %dma_start3A_81] : memref<16384x2048xf32, #tpu.memory_space<hbm>> -> memref<8x2048xf32, #tpu.memory_space<hbm>>
      tpu.enqueue_dma source(%arg9 : memref<8x2048xf32, #tpu.memory_space<vmem>>) target(%dma_start3A_82 : memref<8x2048xf32, #tpu.memory_space<hbm>>) target_semaphore(%arg13 : memref<!tpu.dma_semaphore, #tpu.memory_space<semaphore_mem>>)
      %add3A_83 = arith.constant 2 : i32
      %add3A_84 = arith.addi %add3A_61, %add3A_83 : i32
      %lt3A_85 = arith.constant 64 : i32
      %lt3A_86 = arith.cmpi slt, %add3A_84, %lt3A_85 : i32
      %convert_element_type3A_87 = arith.extui %lt3A_86 : i1 to i32
      %cond3A_88 = arith.constant 0 : i32
      %cond3A_89 = arith.cmpi ne, %convert_element_type3A_87, %cond3A_88 : i32
      scf.if %cond3A_89 {
        %add3A_90 = arith.constant 2 : i32
        %add3A_91 = arith.addi %add3A_61, %add3A_90 : i32
        %mul3A_92 = arith.constant 8 : i32
        %mul3A_93 = arith.muli %add3A_91, %mul3A_92 : i32
        %add3A_94 = arith.addi %mul3A_2, %mul3A_93 : i32
        %dma_start3A_95 = arith.constant 0 : i32
        %dma_start3A_96 = tpu.memref_slice %arg2[%add3A_94, %dma_start3A_95] : memref<16384x2048xf32, #tpu.memory_space<hbm>> -> memref<8x2048xf32, #tpu.memory_space<hbm>>
        %dma_start3A_97 = arith.constant 0 : i32
        %dma_start3A_98 = tpu.memref_slice %arg2[%add3A_94, %dma_start3A_97] : memref<16384x2048xf32, #tpu.memory_space<hbm>> -> memref<8x2048xf32, #tpu.memory_space<hbm>>
        tpu.enqueue_dma source(%dma_start3A_98 : memref<8x2048xf32, #tpu.memory_space<hbm>>) target(%arg7 : memref<8x2048xf32, #tpu.memory_space<vmem>>) target_semaphore(%arg11 : memref<!tpu.dma_semaphore, #tpu.memory_space<semaphore_mem>>)
      } else {
      }
    }
    %scan3A_18 = arith.constant 32 : i32
    %dma_wait3A = arith.constant 0 : i32
    %dma_wait3A_19 = arith.constant 0 : i32
    %dma_wait3A_20 = tpu.memref_slice %arg4[%dma_wait3A, %dma_wait3A_19] : memref<16384x2048xf32, #tpu.memory_space<hbm>> -> memref<8x2048xf32, #tpu.memory_space<hbm>>
    %dma_wait3A_21 = arith.constant 0 : i32
    %dma_wait3A_22 = arith.constant 0 : i32
    %dma_wait3A_23 = tpu.memref_slice %arg4[%dma_wait3A_21, %dma_wait3A_22] : memref<16384x2048xf32, #tpu.memory_space<hbm>> -> memref<8x2048xf32, #tpu.memory_space<hbm>>
    tpu.wait_dma2 semaphore(%arg12 : memref<!tpu.dma_semaphore, #tpu.memory_space<semaphore_mem>>) src(%arg8 : memref<8x2048xf32, #tpu.memory_space<vmem>>) dst(%dma_wait3A_23 : memref<8x2048xf32, #tpu.memory_space<hbm>>)
    %dma_wait3A_24 = arith.constant 0 : i32
    %dma_wait3A_25 = arith.constant 0 : i32
    %dma_wait3A_26 = tpu.memref_slice %arg4[%dma_wait3A_24, %dma_wait3A_25] : memref<16384x2048xf32, #tpu.memory_space<hbm>> -> memref<8x2048xf32, #tpu.memory_space<hbm>>
    %dma_wait3A_27 = arith.constant 0 : i32
    %dma_wait3A_28 = arith.constant 0 : i32
    %dma_wait3A_29 = tpu.memref_slice %arg4[%dma_wait3A_27, %dma_wait3A_28] : memref<16384x2048xf32, #tpu.memory_space<hbm>> -> memref<8x2048xf32, #tpu.memory_space<hbm>>
    tpu.wait_dma2 semaphore(%arg13 : memref<!tpu.dma_semaphore, #tpu.memory_space<semaphore_mem>>) src(%arg9 : memref<8x2048xf32, #tpu.memory_space<vmem>>) dst(%dma_wait3A_29 : memref<8x2048xf32, #tpu.memory_space<hbm>>)
    return
  }
}

</mosaic_0001>

<sc_bundles>
// kernel: kernel.3.cloned.1.call-start
scs
__scs_entry_jumppad:
0x0: {  	(pc) =	sbr.rel $0x88, $3  }
0x1: {  	(tag) =	ssettag $0x0;
	lr =	simm.s32 $0x1  }
0x2: {  	[smem:$0x3F9F] =	sst lr;
	_ =	strace $0xD0000000  }
0x3: {  	_ = 	snop  }
0x4: {  	_ = 	snop  }
0x5: {  	_ = 	snop  }
0x6: {  	_ = 	snop  }
0x7: {  	_ = 	snop  }
__scs_overlays_trampoline_lowered:
0x8: {  	[smem:$0x3FAE] =	sst s0  }
0x9: {  	[smem:$0x3FAF] =	sst s1  }
0xa: {  	[smem:$0x3FB0] =	sst s2  }
0xb: {  	[smem:$0x3FB1] =	sst s3  }
0xc: {  	[smem:$0x3FB2] =	sst s4  }
0xd: {  	[smem:$0x3FB3] =	sst s5  }
0xe: {  	[smem:$0x3FB4] =	sst s6  }
0xf: {  	[smem:$0x3FB5] =	sst s7  }
0x10: {  	[smem:$0x3FB6] =	sst s8  }
0x11: {  	[smem:$0x3FB7] =	sst s9;
	s0 =	simm.s32 @!p0 $0x0  }
0x12: {  	s1 =	sld [smem:$0x3F9D];
	s0 =	simm.s32 @p0 $0x1  }
0x13: {  	[smem:$0x3FB8] =	sst s0;
	s0 =	simm.s32 @!p1 $0x0  }
0x14: {  	s2 =	sld [smem:$0x3F9C];
	s0 =	simm.s32 @p1 $0x1  }
0x15: {  	[smem:$0x3FB9] =	sst s0;
	s0 =	simm.s32 @!p2 $0x0  }
0x16: {  	s3 =	sld [smem:$0x3FDB];
	s0 =	simm.s32 @p2 $0x1  }
0x17: {  	s4 =	simm.s32 $0x1BF5;
	[smem:$0x3FBB] =	sst s0  }
0x18: {  	s0 =	sld [smem:$0x3F9E];
	_ =	swait.ge [sflag:s4], $0x0  }
0x19: {  	s7 =	sld [smem:$0x3F9F]  }
0x1a: {  	s8 =	sadd.s32 $0xFFFFE003, lr  }
0x1b: {  	s9 =	sadd.s32 $0xFFFFFEF7, lr;
	s5 =	simm.s32 $0xFFFFFFFF;
	p2 =	slt.u32 s8, $0xFFFFF086  }
0x1c: {  	p1 =	slt.u32 s9, $0xF7A;
	s5 =	simm.s32 @!p2 $0x0  }
0x1d: {  	s5 =	simm.s32 @p1 $0x1;
	p0 =	seq.s32 s7, s2  }
0x1e: {  	s7 =	smul.u32 @!p0 $0xF7A, s2;
	p2 =	seq.s32 @!p0 s5, $0x0  }
0x1f: {  	s9 =	smul.u32 $0xF7A, s1;
	s8 =	simm.s32 @!p0 $0x1BF5;
	p2 =	por !p2, p0  }
0x20: {  	[sflag:s8] =	ssyncset.s32 @!p0 $0xFFFFF086;
	s6 =	sadd.s32 @!p0 s3, s7;
	s7 =	simm.s32 @!p0 $0x108  }
0x21: {  	s3 =	sadd.s32 s3, s9;
	s6 =	sadd.s32 @!p0 $0x88, s6;
	s7 =	simm.s32 @p2 $0x1082  }
0x22: {  	[simem:s7], [sflag:s8] =	dma.local @!p0 [hbm:s6], $0xF7A  }
0x23: {  	s9 =	sor.u32 $0xD0000000, s2;
	s6 =	simm.s32 $0x108;
	_ =	swait.ge @!p0 [sflag:s8], $0x0  }
0x24: {  	s3 =	sadd.s32 $0x88, s3;
	s6 =	simm.s32 @!p1 $0x1082;
	[sflag:s4] =	ssyncset.s32 $0xFFFFF086  }
0x25: {  	[simem:s6], [sflag:s4] =	dma.local [hbm:s3], $0xF7A  }
0x26: {  	[smem:$0x3F9F] =	sst s1;
	(tag) =	ssettag s2;
	_ =	strace s9  }
0x27: {  	s1 =	sld [smem:$0x3FAF]  }
0x28: {  	s2 =	sld [smem:$0x3FB0]  }
0x29: {  	s4 =	sld [smem:$0x3FB2]  }
0x2a: {  	p0 =	seq.s32 s5, $0x0;
	s5 =	sld [smem:$0x3FB3]  }
0x2b: {  	s6 =	sld [smem:$0x3FB4]  }
0x2c: {  	s7 =	sld [smem:$0x3FB5]  }
0x2d: {  	s3 =	simm.s32 $0x108;
	s8 =	sld [smem:$0x3FB6]  }
0x2e: {  	s3 =	simm.s32 @!p0 $0x1082;
	s9 =	sld [smem:$0x3FB7]  }
0x2f: {  	lr =	sadd.s32 s0, s3;
	s0 =	sld [smem:$0x3FAE]  }
0x30: {  	s3 =	sld [smem:$0x3FB1]  }
0x31: {  	[smem:$0x3FBA] =	sst s10  }
0x32: {  	s10 =	sld [smem:$0x3FB8];
	_ =	sdelay $0x3  }
0x33: {  	p0 =	seq.s32 s10, $0x1;
	s10 =	sld [smem:$0x3FBA];
	_ =	sdelay $0x3  }
0x34: {  	[smem:$0x3FBA] =	sst s10  }
0x35: {  	s10 =	sld [smem:$0x3FB9];
	_ =	sdelay $0x3  }
0x36: {  	p1 =	seq.s32 s10, $0x1;
	s10 =	sld [smem:$0x3FBA];
	_ =	sdelay $0x3  }
0x37: {  	[smem:$0x3FBA] =	sst s10  }
0x38: {  	s10 =	sld [smem:$0x3FBB]  }
0x39: {  	_ = 	snop;
	(pc) =	sbr.ind lr, $3  }
0x3a: {  	_ = 	snop  }
0x3b: {  	_ = 	snop  }
0x3c: {  	p2 =	seq.s32 s10, $0x1;
	s10 =	sld [smem:$0x3FBA]  }
0x3d: {  	_ =	shalt  }
0x3e: {  	_ =	shalt  }
0x3f: {  	_ =	shalt  }
0x40: {  	_ =	shalt  }
0x41: {  	_ =	shalt  }
0x42: {  	_ =	shalt  }
0x43: {  	_ =	shalt  }
0x44: {  	_ =	shalt  }
0x45: {  	_ =	shalt  }
0x46: {  	_ =	shalt  }
0x47: {  	_ =	shalt  }
0x48: {  	_ =	shalt  }
0x49: {  	_ =	shalt  }
0x4a: {  	_ =	shalt  }
0x4b: {  	_ =	shalt  }
0x4c: {  	_ =	shalt  }
0x4d: {  	_ =	shalt  }
0x4e: {  	_ =	shalt  }
0x4f: {  	_ =	shalt  }
0x50: {  	_ =	shalt  }
0x51: {  	_ =	shalt  }
0x52: {  	_ =	shalt  }
0x53: {  	_ =	shalt  }
0x54: {  	_ =	shalt  }
0x55: {  	_ =	shalt  }
0x56: {  	_ =	shalt  }
0x57: {  	_ =	shalt  }
0x58: {  	_ =	shalt  }
0x59: {  	_ =	shalt  }
0x5a: {  	_ =	shalt  }
0x5b: {  	_ =	shalt  }
0x5c: {  	_ =	shalt  }
0x5d: {  	_ =	shalt  }
0x5e: {  	_ =	shalt  }
0x5f: {  	_ =	shalt  }
0x60: {  	_ =	shalt  }
0x61: {  	_ =	shalt  }
0x62: {  	_ =	shalt  }
0x63: {  	_ =	shalt  }
0x64: {  	_ =	shalt  }
0x65: {  	_ =	shalt  }
0x66: {  	_ =	shalt  }
0x67: {  	_ =	shalt  }
0x68: {  	_ =	shalt  }
0x69: {  	_ =	shalt  }
0x6a: {  	_ =	shalt  }
0x6b: {  	_ =	shalt  }
0x6c: {  	_ =	shalt  }
0x6d: {  	_ =	shalt  }
0x6e: {  	_ =	shalt  }
0x6f: {  	_ =	shalt  }
0x70: {  	_ =	shalt  }
0x71: {  	_ =	shalt  }
0x72: {  	_ =	shalt  }
0x73: {  	_ =	shalt  }
0x74: {  	_ =	shalt  }
0x75: {  	_ =	shalt  }
0x76: {  	_ =	shalt  }
0x77: {  	_ =	shalt  }
0x78: {  	_ =	shalt  }
0x79: {  	_ =	shalt  }
0x7a: {  	_ =	shalt  }
0x7b: {  	_ =	shalt  }
0x7c: {  	_ =	shalt  }
0x7d: {  	_ =	shalt  }
0x7e: {  	_ =	shalt  }
0x7f: {  	_ =	shalt  }
0x80: {  	_ =	shalt  }
0x81: {  	_ =	shalt  }
0x82: {  	_ =	shalt  }
0x83: {  	_ =	shalt  }
0x84: {  	_ =	shalt  }
0x85: {  	_ =	shalt  }
0x86: {  	_ =	shalt  }
0x87: {  	_ =	shalt  }
.Lfunc_end0:
.L_simem_size_0:
called_computation_lowered:
.L_overlay_start_0:
0x88: {  	s2 =	sld [smem:$0x3FD9]  }
0x89: {  	s3 =	sld [smem:$0x3FFE];
	_ =	sdelay $0x1  }
0x8a: {  	s1 =	srdreg.scid  }
0x8b: {  	s0 =	sand.u32 $0x1, s1  }
0x8c: {  	s15 =	sshll.u32 s0, $0xA;
	s2 =	sadd.s32 s3, s2  }
0x8d: {  	s2 =	sadd.s32 s2, s15  }
0x8e: {  	[smem:$0x3FC6] =	sst s2  }
0x8f: {  	_ = 	snop  }
0x90: {  	s2 =	sld [smem:$0x3FD0];
	_ =	sdelay $0x1  }
0x91: {  	s16 =	sld [smem:$0x3FC9]  }
0x92: {  	s5 =	simm.s32 $0xA;
	s6 =	simm.s32 $0x10;
	s4 =	sld [smem:$0x3FC8]  }
0x93: {  	[smem:s6], [sflag:s5] =	dma.local [hbm:s2], $0x1  }
0x94: {  	_ =	swait.eq [sflag:s5], $0x1  }
0x95: {  	[sflag:s5] =	ssyncset.done $0x0  }
0x96: {  	[sflag:s5] =	ssyncadd.s32 $0xFFFFFFFF  }
0x97: {  	s17 =	sld [smem:$0x10];
	(tm) =	ssettm $0x1  }
0x98: {  	s18 =	sld [smem:$0x3FFB];
	_ =	sdelay $0x3  }
0x99: {  	_ =	strace s18  }
0x9a: {  	s5 =	sld [smem:$0x3FFC];
	_ =	sdelay $0x3  }
0x9b: {  	_ =	strace s5  }
0x9c: {  	s5 =	sld [smem:$0x3FFD];
	_ =	sdelay $0x3  }
0x9d: {  	_ =	strace s5  }
0x9e: {  	_ =	strace $0x8FFFFFFF  }
0x9f: {  	s19 =	sld [smem:$0x3FDB];
	_ =	sdelay $0x1  }
0xa0: {  	s20 =	simm.s32 $_scs_section_size  }
0xa1: {  	s7 =	simm.s32 $_size__tile_overlayer_lowered;
	s8 =	simm.s32 $_tile_overlayer_lowered  }
0xa2: {  	s23 =	simm.s32 $0x1BFF;
	s22 =	sshll.u32 s8, $0x1;
	s5 =	sadd.s32 s20, s19  }
0xa3: {  	s9 =	simm.s32 $0x0;
	s21 =	sshll.u32 s7, $0x1;
	s7 =	sadd.s32 s22, s5  }
0xa4: {  	[timem:s9], [sflag:s23] =	dma.local [hbm:s7], s21  }
0xa5: {  	_ =	swait.ge [sflag:s23], s21  }
0xa6: {  	s6 =	ssub.s32 $0x0, s21;
	[sflag:s23] =	ssyncset.done $0x0  }
0xa7: {  	[sflag:s23] =	ssyncadd.s32 s6;
	_ =	sdelay $0x1  }
0xa8: {  	s24 =	simm.s32 $0x1B8B  }
0xa9: {  	_ =	swait.ge [sflag:s24], $0x1  }
0xaa: {  	[sflag:s24] =	ssyncset.done $0x0  }
0xab: {  	s25 =	simm.s32 $0x1B8E;
	[sflag:s24] =	ssyncadd.s32 $0xFFFFFFFF  }
0xac: {  	s26 =	simm.s32 $execute0_lowered;
	[smem:$0x3FD2] =	sst s25  }
0xad: {  	s6 =	sshll.u32 s26, $0x1;
	_ =	strace $0x80000046;
	[dreg:$0x1] =	wrdreg $0xFFFFFFFF  }
0xae: {  	s28 =	simm.s32 $_size_execute0_lowered;
	s5 =	sadd.s32 s5, s6;
	[dreg:$0x0] =	wrdreg $0x0  }
0xaf: {  	s6 =	sshll.u32 s28, $0x1;
	[dreg:$0x2] =	wrdreg s5  }
0xb0: {  	[dreg:$0x3] =	wrdreg s6  }
0xb1: {  	[dreg:$0x4] =	wrdreg $0xC0  }
0xb2: {  	_ =	task [dreg:s9], $0x5FFFF  }
0xb3: {  	[dreg:$0x1] =	wrdreg $0xFFFFFFFF  }
0xb4: {  	[dreg:$0x0] =	wrdreg $0x60  }
0xb5: {  	[dreg:$0x2] =	wrdreg s16  }
0xb6: {  	[dreg:$0x3] =	wrdreg s4  }
0xb7: {  	[dreg:$0x4] =	wrdreg s17  }
0xb8: {  	[dreg:$0x5] =	wrdreg $0x9  }
0xb9: {  	_ =	task.clear_ibuf [dreg:s9], $0x6FFFF;
	_ =	strace $0x90000046  }
0xba: {  	s29 =	simm.s32 $0x9;
	_ =	strace $0x80000048  }
0xbb: {  	_ =	swait.ge [sflag:s29], $0x1  }
0xbc: {  	[sflag:s29] =	ssyncadd.s32 $0xFFFFFFFF  }
0xbd: {  	_ =	strace $0x90000048  }
0xbe: {  	_ =	sfence  }
0xbf: {  	s30 =	sld [smem:$0x0];
	_ =	sdelay $0x2  }
0xc0: {  	s31 =	sshll.u32 s1, $0xD;
	s1 =	sshrl.u32 s1, $0x2  }
0xc1: {  	s3 =	sand.u32 $0x4000, s31;
	s1 =	sadd.s32 s1, s30  }
0xc2: {  	s0 =	sor.u32 s3, s0;
	s1 =	sshll.u32 s1, $0x11  }
0xc3: {  	s0 =	sor.u32 s1, s0  }
0xc4: {  	s0 =	sadd.s32 $0x8F2B, s0  }
0xc5: {  	[sflag:s0] =	ssyncadd.remote.s32 $0x1  }
0xc6: {  	_ =	sfence.sel $0xFFFF  }
0xc7: {  	[dreg:$0x0] =	wrdreg $0xFFFFFFFF;
	(pc) =	sbr.abs _section_cstart, $3  }
0xc8: {  	[dreg:$0x1] =	wrdreg $0xFFFFFFFF  }
0xc9: {  	_ =	task.clear_ibuf [dreg:s9], $0x2FFFF;
	_ =	strace $0x9FFFFFFF  }
0xca: {  	(tm) =	ssettm $0x7FFFFFFF  }
0xcb: {  	_ =	shalt  }
tec
execute0_lowered:
.L_overlay_start_1:
0x0: {  	(tag) =	ssettag $0x1  }
0x1: {  	s1 =	rddreg [dreg:$0x0]  }
0x2: {  	s2 =	srdreg.scid;
	s3 =	rddreg [dreg:$0x1]  }
0x3: {  	s0 =	stileid.u32;
	s7 =	rddreg [dreg:$0x2];
	s4 =	simm.s32 $0x0  }
0x4: {  	s12 =	simm.s32 $0x5;
	s13 =	simm.s32 $0x800;
	s14 =	simm.s32 $0x4800  }
0x5: {  	s15 =	simm.s32 $0x1;
	s16 =	simm.s32 $0x8800;
	s17 =	simm.s32 $0x2  }
0x6: {  	s18 =	simm.s32 $0x4;
	s19 =	simm.s32 $0xC800;
	s20 =	simm.s32 $0x3  }
0x7: {  	s21 =	simm.s32 $0x0;
	s5 =	sand.u32 $0x1, s2;
	s2 =	rddreg [dreg:$0x3]  }
0x8: {  	s6 =	sshll.u32 s0, $0xA;
	[smem:$0x7FF] =	sst s4;
	s8 =	sshll.u32 s5, $0x9  }
.Ltmp0:
0x9: {  	s31 =	ssub.s32 $0x2, s5;
	s8 =	sor.u32 s8, s6;
	(pc) =	sbr.rel .LBB2_1-.Ltmp0, $4  }
0xa: {  	_ =	strace $0x80000047;
	s10 =	sshrl.u32 s31, $0x1;
	s9 =	sshll.u32 s8, $0x8  }
0xb: {  	s10 =	ssub.s32 s31, s10;
	s11 =	sshrl.u32 s8, $0x3;
	s5 =	sadd.s32 s1, s9  }
0xc: {  	s7 =	sadd.s32 s7, s9;
	s8 =	sor.u32 $0x2, s11;
	s9 =	sor.u32 $0x3, s11  }
0xd: {  	v0 =	vlaneseq.u32;
	s10 =	smax.u32 s10, $0x1;
	s6 =	sadd.s32 $0x800, s5;
	s11 =	sadd.s32 $0x800, s7  }
.LBB2_12:
0xe: {  	s21 =	sadd.s32 $0x1, s21  }
0xf: {  	_ =	swait.ge [sflag:s20], $0x4000;
	p0 =	sne.s32 s21, s10  }
.Ltmp1:
0x10: {  	[sflag:s20] =	ssyncset.done $0x0;
	(pc) =	sbr.rel @!p0 .LBB2_13-.Ltmp1, $4  }
0x11: {  	[sflag:s20] =	ssyncadd.s32 $0xFFFFC000  }
0x12: {  	_ =	swait.ge [sflag:s18], $0x4000  }
0x13: {  	[sflag:s18] =	ssyncset.done $0x0  }
0x14: {  	[sflag:s18] =	ssyncadd.s32 $0xFFFFC000  }
.LBB2_1:
0x15: {  	[tilespmem:s4], [sflag:$0x5] =	stream.linear.gather [hbm4b:s3+s4], $0x800, $0x38;
	[tilespmem:$0x10800] =	vst v63  }
0x16: {  	_ =	swait.ge [sflag:s12], $0x800  }
0x17: {  	[sflag:s12] =	ssyncset.done $0x0  }
0x18: {  	[sflag:s12] =	ssyncadd.s32 $0xFFFFF800  }
0x19: {  	[tilespmem:s13], [sflag:$0x1] =	stream.linear.gather [hbm4b:s5+s4], $0x4000, $0x38;
	[tilespmem:$0x10800] =	vst v63  }
0x1a: {  	s22 =	simm.s32 $0x0  }
0x1b: {  	[tilespmem:s14], [sflag:$0x2] =	stream.linear.gather [hbm4b:s6+s4], $0x4000, $0x38;
	[tilespmem:$0x10800] =	vst v63  }
.LBB2_2:
0x1c: {  	_ =	swait.ge [sflag:s15], $0x4000  }
0x1d: {  	p0 =	seq.s32 s22, $0x0;
	[sflag:s15] =	ssyncset.done $0x0  }
0x1e: {  	s23 =	simm.s32 @!p0 $0x3;
	[sflag:s15] =	ssyncadd.s32 $0xFFFFC000  }
0x1f: {  	_ =	swait.ge @!p0 [sflag:s23], $0x4000  }
0x20: {  	[sflag:s23] =	ssyncset.done @!p0 $0x0  }
0x21: {  	s24 =	simm.s32 $0x10;
	[sflag:s23] =	ssyncadd.s32 @!p0 $0xFFFFC000  }
0x22: {  	v1 =	vld [tilespmem:s24+$0x0];
	_ =	sdelay $0x3  }
0x23: {  	v2 =	vld [tilespmem:s24+$0xFFFFFFF0]  }
0x24: {  	v3 =	vshll.u32 v1, $0x3  }
0x25: {  	v1 =	vand.u32 $0x7F, v1;
	v3 =	vand.u32 $0xFFFFFC00, v3  }
0x26: {  	v1 =	vor.u32 v1, v3  }
0x27: {  	s29 =	simm.s32 $0x30;
	v13 =	vmov s24;
	v3 =	vor.u32 $0x80, v1  }
0x28: {  	v15 =	vor.u32 s24, v0;
	v7 =	vld [tilespmem:s29+$0x0];
	v5 =	vshll.u32 v2, $0x3;
	v4 =	vor.u32 $0x100, v1  }
0x29: {  	v27 =	vld [tilespmem:s29+$0xFFFFFFF0];
	s24 =	simm.s32 $0x50;
	v2 =	vand.u32 $0x7F, v2;
	v5 =	vand.u32 $0xFFFFFC00, v5;
	v6 =	vor.u32 $0x180, v1  }
0x2a: {  	v39 =	vld [tilespmem:s24+$0x0];
	v9 =	vor.u32 v2, v5;
	v5 =	vor.u32 $0x280, v1  }
0x2b: {  	v13 =	vshll.u32 v13, $0x3;
	v8 =	vor.u32 $0x200, v1;
	v10 =	vor.u32 $0x80, v9;
	v2 =	vld.idx.msk [tilespmem:v1+s13+$0x0], $0xffff  }
0x2c: {  	v12 =	vor.u32 $0x100, v9;
	v17 =	vor.u32 $0x200, v9;
	v11 =	vld.idx.msk [tilespmem:v3+s13+$0x0], $0xffff;
	v3 =	vor.u32 $0x300, v1  }
0x2d: {  	v18 =	vor.u32 $0x280, v9;
	v19 =	vor.u32 $0x300, v9;
	v14 =	vld.idx.msk [tilespmem:v4+s13+$0x0], $0xffff;
	v1 =	vor.u32 $0x380, v1  }
0x2e: {  	s30 =	simm.s32 $0x0;
	v4 =	vor.u32 $0x180, v9;
	v16 =	vld.idx.msk [tilespmem:v6+s13+$0x0], $0xffff;
	v6 =	vand.u32 $0x7F, v15;
	v15 =	vand.u32 $0x3C00, v13  }
0x2f: {  	v22 =	vor.u32 $0x380, v9;
	v20 =	vld.idx.msk [tilespmem:v5+s13+$0x0], $0xffff;
	v5 =	vmov s30;
	v15 =	vor.u32 v6, v15  }
0x30: {  	v41 =	vld [tilespmem:s24+$0xFFFFFFF0];
	v5 =	vshll.u32 v5, $0x3;
	v21 =	vor.u32 $0x80, v15;
	v24 =	vor.u32 $0x100, v15  }
0x31: {  	v26 =	vor.u32 $0x180, v15;
	v28 =	vor.u32 $0x200, v15;
	v23 =	vld.idx.msk [tilespmem:v3+s13+$0x0], $0xffff;
	v3 =	vor.u32 s30, v0  }
0x32: {  	v30 =	vor.u32 $0x280, v15;
	v25 =	vld.idx.msk [tilespmem:v1+s13+$0x0], $0xffff;
	v1 =	vand.u32 $0x6F, v3;
	v3 =	vand.u32 $0x3C00, v5  }
0x33: {  	v31 =	vor.u32 $0x300, v15;
	v32 =	vld.idx.msk [tilespmem:v4+s13+$0x0], $0xffff;
	v4 =	vand.u32 $0x7F, v7;
	v29 =	vor.u32 v1, v3  }
0x34: {  	v8 =	vld.idx.msk [tilespmem:v8+s13+$0x0], $0xffff;
	v1 =	vor.u32 v5, v1;
	v3 =	vshll.u32 v7, $0x3;
	v5 =	vor.u32 v6, v13  }
0x35: {  	v10 =	vld.idx.msk [tilespmem:v10+s13+$0x0], $0xffff;
	v3 =	vand.u32 $0xFFFFFC00, v3;
	v7 =	vor.u32 $0x80, v29;
	v13 =	vor.u32 $0x100, v29  }
0x36: {  	v33 =	vld.idx.msk [tilespmem:v17+s13+$0x0], $0xffff;
	[tilespmem:v15+s16+$0x0] =	vst.idx.msk $0xffff, v2;
	v34 =	vor.u32 $0x380, v5;
	v35 =	vor.u32 $0x180, v29;
	v36 =	vor.u32 $0x200, v29  }
0x37: {  	v9 =	vld.idx.msk [tilespmem:v9+s13+$0x0], $0xffff;
	[tilespmem:v21+s16+$0x0] =	vst.idx.msk $0xffff, v11;
	v2 =	vor.u32 $0x300, v1;
	v1 =	vor.u32 $0x380, v1;
	v17 =	vor.u32 v4, v3  }
0x38: {  	v5 =	vld.idx.msk [tilespmem:v18+s13+$0x0], $0xffff;
	[tilespmem:v24+s16+$0x0] =	vst.idx.msk $0xffff, v14;
	v14 =	vand.u32 $0x7F, v27;
	v3 =	vor.u32 $0x280, v29;
	v18 =	vor.u32 $0x80, v17  }
0x39: {  	v4 =	vld.idx.msk [tilespmem:v19+s13+$0x0], $0xffff;
	v19 =	vshll.u32 v27, $0x3;
	[tilespmem:v26+s16+$0x0] =	vst.idx.msk $0xffff, v16;
	v15 =	vor.u32 $0x100, v17;
	v11 =	vor.u32 $0x180, v17  }
0x3a: {  	v12 =	vld.idx.msk [tilespmem:v12+s13+$0x0], $0xffff;
	v21 =	vor.u32 $0x200, v17;
	v16 =	vand.u32 $0xFFFFFC00, v19;
	v19 =	vmov s29;
	[tilespmem:v28+s16+$0x0] =	vst.idx.msk $0xffff, v8  }
0x3b: {  	v6 =	vld.idx.msk [tilespmem:v22+s13+$0x0], $0xffff;
	v24 =	vor.u32 $0x280, v17;
	v8 =	vor.u32 s29, v0;
	v26 =	vor.u32 $0x300, v17;
	[tilespmem:v30+s16+$0x0] =	vst.idx.msk $0xffff, v20  }
0x3c: {  	s31 =	simm.s32 $0x20;
	v19 =	vshll.u32 v19, $0x3;
	v8 =	vand.u32 $0x7F, v8;
	v30 =	vor.u32 v14, v16;
	[tilespmem:v31+s16+$0x0] =	vst.idx.msk $0xffff, v23;
	v22 =	vld.idx.msk [tilespmem:v17+s13+$0x0], $0xffff  }
0x3d: {  	v20 =	vand.u32 $0x3C00, v19;
	v27 =	vor.u32 $0x200, v30;
	[tilespmem:v29+s16+$0x0] =	vst.idx.msk $0xffff, v9;
	v9 =	vor.u32 s31, v0;
	v18 =	vld.idx.msk [tilespmem:v18+s13+$0x0], $0xffff  }
0x3e: {  	v14 =	vor.u32 v8, v20;
	[tilespmem:v34+s16+$0x0] =	vst.idx.msk $0xffff, v25;
	v20 =	vor.u32 $0x100, v30;
	v17 =	vor.u32 $0x380, v17;
	v15 =	vld.idx.msk [tilespmem:v15+s13+$0x0], $0xffff  }
0x3f: {  	v25 =	vor.u32 $0x180, v30;
	[tilespmem:v7+s16+$0x0] =	vst.idx.msk $0xffff, v10;
	v7 =	vmov s31;
	v23 =	vor.u32 $0x80, v14;
	v16 =	vld.idx.msk [tilespmem:v11+s13+$0x0], $0xffff  }
0x40: {  	v8 =	vor.u32 v8, v19;
	v19 =	vor.u32 $0x380, v30;
	v28 =	vor.u32 $0x100, v14;
	v21 =	vld.idx.msk [tilespmem:v21+s13+$0x0], $0xffff  }
0x41: {  	v10 =	vand.u32 $0x6F, v9;
	v63 =	vor.u32 $0x180, v14;
	[tilespmem:v13+s16+$0x0] =	vst.idx.msk $0xffff, v12;
	v7 =	vshll.u32 v7, $0x3;
	v24 =	vld.idx.msk [tilespmem:v24+s13+$0x0], $0xffff  }
0x42: {  	v37 =	vor.u32 $0x200, v14;
	v11 =	vor.u32 $0x80, v30;
	v26 =	vld.idx.msk [tilespmem:v26+s13+$0x0], $0xffff;
	v9 =	vand.u32 $0x3C00, v7;
	[tilespmem:v35+s16+$0x0] =	vst.idx.msk $0xffff, v32  }
0x43: {  	v29 =	vor.u32 $0x280, v30;
	v40 =	vor.u32 $0x280, v14;
	v9 =	vor.u32 v10, v9;
	v38 =	vld.idx.msk [tilespmem:v17+s13+$0x0], $0xffff;
	[tilespmem:v14+s16+$0x0] =	vst.idx.msk $0xffff, v22  }
0x44: {  	v31 =	vor.u32 $0x300, v30;
	v13 =	vor.u32 $0x80, v9;
	v12 =	vld.idx.msk [tilespmem:v20+s13+$0x0], $0xffff;
	[tilespmem:v23+s16+$0x0] =	vst.idx.msk $0xffff, v18;
	v23 =	vor.u32 $0x300, v14  }
0x45: {  	v20 =	vand.u32 $0x7F, v39;
	v19 =	vld.idx.msk [tilespmem:v19+s13+$0x0], $0xffff;
	v17 =	vor.u32 $0x280, v9;
	v14 =	vor.u32 v7, v10;
	[tilespmem:v28+s16+$0x0] =	vst.idx.msk $0xffff, v15  }
0x46: {  	v22 =	vld.idx.msk [tilespmem:v25+s13+$0x0], $0xffff;
	v10 =	vor.u32 $0x100, v9;
	v18 =	vshll.u32 v39, $0x3;
	v28 =	vor.u32 $0x380, v8;
	[tilespmem:v63+s16+$0x0] =	vst.idx.msk $0xffff, v16  }
0x47: {  	v11 =	vld.idx.msk [tilespmem:v11+s13+$0x0], $0xffff;
	v7 =	vor.u32 $0x200, v9;
	v8 =	vor.u32 $0x180, v9;
	[tilespmem:v37+s16+$0x0] =	vst.idx.msk $0xffff, v21;
	v21 =	vand.u32 $0xFFFFFC00, v18  }
0x48: {  	v15 =	vor.u32 $0x300, v14;
	v16 =	vld.idx.msk [tilespmem:v27+s13+$0x0], $0xffff;
	[tilespmem:v40+s16+$0x0] =	vst.idx.msk $0xffff, v24;
	v24 =	vshll.u32 v41, $0x3;
	v25 =	vor.u32 v20, v21  }
0x49: {  	v18 =	vld.idx.msk [tilespmem:v29+s13+$0x0], $0xffff;
	[tilespmem:v23+s16+$0x0] =	vst.idx.msk $0xffff, v26;
	v23 =	vand.u32 $0x7F, v41;
	v20 =	vand.u32 $0xFFFFFC00, v24;
	v29 =	vor.u32 $0x80, v25  }
0x4a: {  	[tilespmem:v36+s16+$0x0] =	vst.idx.msk $0xffff, v33;
	v14 =	vor.u32 $0x380, v14;
	v21 =	vld.idx.msk [tilespmem:v31+s13+$0x0], $0xffff;
	v27 =	vor.u32 $0x100, v25;
	v24 =	vor.u32 v23, v20  }
0x4b: {  	s25 =	simm.s32 $0x4;
	s26 =	simm.s32 $0x70;
	s23 =	sshll.u32 s22, $0x1;
	v26 =	vld.idx.msk [tilespmem:v30+s13+$0x0], $0xffff;
	[tilespmem:v28+s16+$0x0] =	vst.idx.msk $0xffff, v38;
	v28 =	vor.u32 $0x180, v25;
	v23 =	vor.u32 $0x80, v24;
	v20 =	vor.u32 $0x100, v24  }
.LBB2_3:
0x4c: {  	v30 =	vld [tilespmem:s26+$0x0];
	s28 =	sadd.s32 $0xFFFFFFF0, s24;
	v31 =	vor.u32 $0x180, v24;
	v32 =	vmov s24;
	v33 =	vor.u32 $0x200, v25;
	[tilespmem:v3+s16+$0x0] =	vst.idx.msk $0xffff, v5;
	v3 =	vmovc v17;
	v34 =	vmovc v22  }
0x4d: {  	v38 =	vor.u32 s24, v0;
	v22 =	vor.u32 $0x280, v25;
	v17 =	vld.idx.msk [tilespmem:v25+s13+$0x0], $0xffff;
	v32 =	vshll.u32 v32, $0x3;
	[tilespmem:v2+s16+$0x0] =	vst.idx.msk $0xffff, v4;
	v2 =	vmovc v15  }
0x4e: {  	v35 =	vand.u32 $0x7F, v38;
	v15 =	vld.idx.msk [tilespmem:v29+s13+$0x0], $0xffff;
	v29 =	vor.u32 $0x300, v25;
	v40 =	vand.u32 $0x3C00, v32;
	[tilespmem:v1+s16+$0x0] =	vst.idx.msk $0xffff, v6;
	v1 =	vmovc v14  }
0x4f: {  	v36 =	vor.u32 $0x200, v24;
	v37 =	vmovc v16;
	v5 =	vmovc v18;
	v25 =	vor.u32 $0x380, v25;
	v14 =	vld.idx.msk [tilespmem:v27+s13+$0x0], $0xffff;
	v27 =	vor.u32 v35, v40  }
0x50: {  	v39 =	vmovc v24;
	v18 =	vor.u32 $0x280, v24;
	v38 =	vor.u32 $0x300, v24;
	v4 =	vmovc v21;
	v16 =	vld.idx.msk [tilespmem:v28+s13+$0x0], $0xffff;
	v28 =	vor.u32 $0x80, v27  }
0x51: {  	v21 =	vmov s28;
	v40 =	vor.u32 $0x380, v39;
	v6 =	vmovc v19;
	v24 =	vld.idx.msk [tilespmem:v33+s13+$0x0], $0xffff;
	v33 =	vor.u32 $0x100, v27;
	[tilespmem:v9+s16+$0x0] =	vst.idx.msk $0xffff, v26  }
0x52: {  	v19 =	vshll.u32 v21, $0x3;
	v9 =	vor.u32 s28, v0;
	v21 =	vld.idx.msk [tilespmem:v22+s13+$0x0], $0xffff;
	v22 =	vor.u32 $0x180, v27;
	[tilespmem:v13+s16+$0x0] =	vst.idx.msk $0xffff, v11  }
0x53: {  	v11 =	vand.u32 $0x6F, v9;
	v9 =	vand.u32 $0x3C00, v19;
	v26 =	vld.idx.msk [tilespmem:v29+s13+$0x0], $0xffff;
	v29 =	vor.u32 $0x200, v27;
	[tilespmem:v10+s16+$0x0] =	vst.idx.msk $0xffff, v12  }
0x54: {  	v9 =	vor.u32 v11, v9;
	v41 =	vld.idx.msk [tilespmem:v25+s13+$0x0], $0xffff;
	[tilespmem:v27+s16+$0x0] =	vst.idx.msk $0xffff, v17;
	v25 =	vor.u32 $0x280, v27  }
0x55: {  	v19 =	vor.u32 v19, v11;
	v12 =	vor.u32 v35, v32;
	v27 =	vor.u32 $0x300, v27;
	v42 =	vld [tilespmem:s26+$0xFFFFFFF0];
	[tilespmem:v28+s16+$0x0] =	vst.idx.msk $0xffff, v15  }
0x56: {  	v13 =	vor.u32 $0x80, v9;
	v10 =	vor.u32 $0x100, v9;
	v11 =	vld.idx.msk [tilespmem:v23+s13+$0x0], $0xffff;
	[tilespmem:v33+s16+$0x0] =	vst.idx.msk $0xffff, v14;
	v23 =	vor.u32 $0x380, v12  }
0x57: {  	s25 =	sadd.s32 $0x2, s25;
	v32 =	vor.u32 $0x200, v9;
	v17 =	vor.u32 $0x280, v9;
	v12 =	vld.idx.msk [tilespmem:v20+s13+$0x0], $0xffff;
	v20 =	vor.u32 $0x180, v9;
	[tilespmem:v22+s16+$0x0] =	vst.idx.msk $0xffff, v16  }
0x58: {  	p1 =	slt.u32 s25, $0x7E;
	v15 =	vor.u32 $0x300, v19;
	v14 =	vor.u32 $0x380, v19;
	v16 =	vshll.u32 v30, $0x3;
	v22 =	vld.idx.msk [tilespmem:v31+s13+$0x0], $0xffff;
	[tilespmem:v29+s16+$0x0] =	vst.idx.msk $0xffff, v24  }
.Ltmp2:
0x59: {  	v19 =	vand.u32 $0x7F, v30;
	v24 =	vand.u32 $0xFFFFFC00, v16;
	v16 =	vld.idx.msk [tilespmem:v36+s13+$0x0], $0xffff;
	[tilespmem:v25+s16+$0x0] =	vst.idx.msk $0xffff, v21;
	(pc) =	sbr.rel @p1 .LBB2_3-.Ltmp2, $4  }
0x5a: {  	v25 =	vor.u32 v19, v24;
	v28 =	vand.u32 $0x7F, v42;
	v21 =	vshll.u32 v42, $0x3;
	v18 =	vld.idx.msk [tilespmem:v18+s13+$0x0], $0xffff;
	[tilespmem:v27+s16+$0x0] =	vst.idx.msk $0xffff, v26  }
0x5b: {  	v29 =	vor.u32 $0x80, v25;
	v19 =	vand.u32 $0xFFFFFC00, v21;
	v21 =	vld.idx.msk [tilespmem:v38+s13+$0x0], $0xffff;
	[tilespmem:v23+s16+$0x0] =	vst.idx.msk $0xffff, v41  }
0x5c: {  	v27 =	vor.u32 $0x100, v25;
	v24 =	vor.u32 v28, v19;
	v19 =	vld.idx.msk [tilespmem:v40+s13+$0x0], $0xffff;
	[tilespmem:v8+s16+$0x0] =	vst.idx.msk $0xffff, v34;
	v8 =	vmov v20  }
0x5d: {  	s24 =	sadd.s32 $0x20, s24;
	s26 =	sadd.s32 $0x20, s26;
	v28 =	vor.u32 $0x180, v25;
	v23 =	vor.u32 $0x80, v24;
	v20 =	vor.u32 $0x100, v24;
	v26 =	vld.idx.msk [tilespmem:v39+s13+$0x0], $0xffff;
	[tilespmem:v7+s16+$0x0] =	vst.idx.msk $0xffff, v37;
	v7 =	vmovc v32  }
0x5e: {  	_ =	sdelay $0x2  }
0x5f: {  	v30 =	vor.u32 $0x200, v25;
	v31 =	vmov s24  }
0x60: {  	v32 =	vld.idx.msk [tilespmem:v25+s13+$0x0], $0xffff;
	v33 =	vor.u32 $0x280, v25;
	v34 =	vor.u32 s24, v0;
	[tilespmem:v3+s16+$0x0] =	vst.idx.msk $0xffff, v5;
	v31 =	vshll.u32 v31, $0x3  }
0x61: {  	v29 =	vld.idx.msk [tilespmem:v29+s13+$0x0], $0xffff;
	v35 =	vor.u32 $0x300, v25;
	v3 =	vand.u32 $0x7F, v34;
	[tilespmem:v2+s16+$0x0] =	vst.idx.msk $0xffff, v4;
	v40 =	vand.u32 $0x3C00, v31  }
0x62: {  	v27 =	vld.idx.msk [tilespmem:v27+s13+$0x0], $0xffff;
	v41 =	vor.u32 $0x380, v25;
	[tilespmem:v1+s16+$0x0] =	vst.idx.msk $0xffff, v6;
	v2 =	vor.u32 v3, v40  }
0x63: {  	v42 =	vld.idx.msk [tilespmem:v28+s13+$0x0], $0xffff;
	v1 =	vor.u32 $0x80, v2;
	[tilespmem:v9+s16+$0x0] =	vst.idx.msk $0xffff, v26  }
0x64: {  	v44 =	vor.u32 $0x100, v2;
	v43 =	vld.idx.msk [tilespmem:v30+s13+$0x0], $0xffff;
	[tilespmem:v13+s16+$0x0] =	vst.idx.msk $0xffff, v11  }
0x65: {  	v46 =	vor.u32 $0x180, v2;
	v45 =	vld.idx.msk [tilespmem:v33+s13+$0x0], $0xffff;
	[tilespmem:v10+s16+$0x0] =	vst.idx.msk $0xffff, v12  }
0x66: {  	v48 =	vor.u32 $0x200, v2;
	v47 =	vld.idx.msk [tilespmem:v35+s13+$0x0], $0xffff;
	[tilespmem:v8+s16+$0x0] =	vst.idx.msk $0xffff, v22  }
0x67: {  	v50 =	vor.u32 $0x280, v2;
	v49 =	vld.idx.msk [tilespmem:v41+s13+$0x0], $0xffff;
	[tilespmem:v2+s16+$0x0] =	vst.idx.msk $0xffff, v32  }
0x68: {  	[tilespmem:v1+s16+$0x0] =	vst.idx.msk $0xffff, v29;
	v1 =	vor.u32 $0x300, v2;
	v2 =	vor.u32 v3, v31  }
0x69: {  	[tilespmem:v44+s16+$0x0] =	vst.idx.msk $0xffff, v27;
	v2 =	vor.u32 $0x380, v2  }
0x6a: {  	s31 =	sadd.s32 $0xFFFFFFF0, s24;
	v51 =	vor.u32 $0x200, v24;
	[tilespmem:v46+s16+$0x0] =	vst.idx.msk $0xffff, v42  }
0x6b: {  	v52 =	vor.u32 $0x280, v24;
	v53 =	vmov s31;
	[tilespmem:v48+s16+$0x0] =	vst.idx.msk $0xffff, v43  }
0x6c: {  	v54 =	vld.idx.msk [tilespmem:v23+s13+$0x0], $0xffff;
	v56 =	vor.u32 s31, v0;
	v6 =	vshll.u32 v53, $0x3;
	v3 =	vor.u32 $0x180, v24;
	[tilespmem:v50+s16+$0x0] =	vst.idx.msk $0xffff, v45  }
0x6d: {  	v55 =	vor.u32 $0x300, v24;
	v20 =	vld.idx.msk [tilespmem:v20+s13+$0x0], $0xffff;
	v57 =	vand.u32 $0x6F, v56;
	v58 =	vand.u32 $0x3C00, v6;
	[tilespmem:v1+s16+$0x0] =	vst.idx.msk $0xffff, v47  }
0x6e: {  	v59 =	vld.idx.msk [tilespmem:v24+s13+$0x0], $0xffff;
	v1 =	vor.u32 $0x380, v24;
	[tilespmem:v2+s16+$0x0] =	vst.idx.msk $0xffff, v49;
	v2 =	vor.u32 v57, v58  }
0x6f: {  	v4 =	vld.idx.msk [tilespmem:v51+s13+$0x0], $0xffff;
	[tilespmem:v7+s16+$0x0] =	vst.idx.msk $0xffff, v16;
	v60 =	vor.u32 $0x80, v2  }
0x70: {  	v5 =	vld.idx.msk [tilespmem:v52+s13+$0x0], $0xffff;
	[tilespmem:v17+s16+$0x0] =	vst.idx.msk $0xffff, v18;
	v61 =	vor.u32 $0x100, v2  }
0x71: {  	[tilespmem:v15+s16+$0x0] =	vst.idx.msk $0xffff, v21;
	v3 =	vld.idx.msk [tilespmem:v3+s13+$0x0], $0xffff;
	v12 =	vor.u32 $0x180, v2  }
0x72: {  	v9 =	vld.idx.msk [tilespmem:v55+s13+$0x0], $0xffff;
	[tilespmem:v14+s16+$0x0] =	vst.idx.msk $0xffff, v19;
	v62 =	vor.u32 $0x200, v2  }
0x73: {  	v6 =	vor.u32 v6, v57;
	v63 =	vor.u32 $0x280, v2;
	v1 =	vld.idx.msk [tilespmem:v1+s13+$0x0], $0xffff;
	[tilespmem:v2+s16+$0x0] =	vst.idx.msk $0xffff, v59  }
0x74: {  	v2 =	vor.u32 $0x300, v6;
	[tilespmem:v60+s16+$0x0] =	vst.idx.msk $0xffff, v54  }
0x75: {  	v6 =	vor.u32 $0x380, v6;
	[tilespmem:v61+s16+$0x0] =	vst.idx.msk $0xffff, v20  }
0x76: {  	p1 =	sne.s32 s22, $0x1F;
	[tilespmem:v12+s16+$0x0] =	vst.idx.msk $0xffff, v3  }
.Ltmp3:
0x77: {  	[tilespmem:v62+s16+$0x0] =	vst.idx.msk $0xffff, v4;
	(pc) =	sbr.rel @p1 .LBB2_6-.Ltmp3, $4  }
0x78: {  	[tilespmem:v63+s16+$0x0] =	vst.idx.msk $0xffff, v5  }
0x79: {  	s24 =	sshll.u32 s22, $0xC;
	[tilespmem:v2+s16+$0x0] =	vst.idx.msk $0xffff, v9  }
0x7a: {  	s25 =	sadd.s32 s24, s7;
	[tilespmem:v6+s16+$0x0] =	vst.idx.msk $0xffff, v1  }
0x7b: {  	[hbm4b:s25+s4] =	stream.linear.scatter [tilespmem:s16], [sflag:$0x3], $0x4000, $0x38;
	[tilespmem:$0x10800] =	vst v63  }
.Ltmp4:
0x7c: {  	(pc) =	sbr.rel .LBB2_7-.Ltmp4, $4  }
0x7d: {  	_ = 	snop  }
0x7e: {  	_ =	swait.ge [sflag:s17], $0x4000  }
0x7f: {  	[sflag:s17] =	ssyncset.done $0x0  }
0x80: {  	[sflag:s17] =	ssyncadd.s32 $0xFFFFC000  }
.LBB2_6:
0x81: {  	s25 =	sadd.s32 s23, s8  }
0x82: {  	s25 =	sshll.u32 s25, $0xB  }
0x83: {  	s25 =	sand.u32 $0x1FFFF000, s25  }
.Ltmp5:
0x84: {  	s25 =	sadd.s32 s1, s25;
	(pc) =	sbr.rel @p0 .LBB2_8-.Ltmp5, $4  }
0x85: {  	[tilespmem:s13], [sflag:$0x1] =	stream.linear.gather [hbm4b:s25+s4], $0x4000, $0x38;
	[tilespmem:$0x10800] =	vst v63  }
0x86: {  	_ =	swait.ge [sflag:s17], $0x4000  }
0x87: {  	[sflag:s17] =	ssyncset.done $0x0  }
0x88: {  	[sflag:s17] =	ssyncadd.s32 $0xFFFFC000  }
.LBB2_7:
0x89: {  	_ =	swait.ge [sflag:s18], $0x4000  }
0x8a: {  	[sflag:s18] =	ssyncset.done $0x0  }
0x8b: {  	[sflag:s18] =	ssyncadd.s32 $0xFFFFC000  }
.LBB2_8:
0x8c: {  	s26 =	simm.s32 $0x10  }
0x8d: {  	v1 =	vld [tilespmem:s26+$0x0];
	_ =	sdelay $0x4  }
0x8e: {  	v2 =	vld [tilespmem:s26+$0xFFFFFFF0];
	v3 =	vshll.u32 v1, $0x3  }
0x8f: {  	v1 =	vand.u32 $0x7F, v1;
	v3 =	vand.u32 $0xFFFFFC00, v3  }
0x90: {  	v1 =	vor.u32 v1, v3  }
0x91: {  	v3 =	vor.u32 $0x80, v1  }
0x92: {  	s25 =	simm.s32 $0x30;
	v4 =	vor.u32 $0x100, v1  }
0x93: {  	v7 =	vld [tilespmem:s25+$0x0];
	v5 =	vshll.u32 v2, $0x3;
	v6 =	vor.u32 $0x180, v1  }
0x94: {  	v27 =	vld [tilespmem:s25+$0xFFFFFFF0];
	v2 =	vand.u32 $0x7F, v2;
	v5 =	vand.u32 $0xFFFFFC00, v5;
	v8 =	vor.u32 $0x200, v1  }
0x95: {  	v13 =	vmov s26;
	v9 =	vor.u32 v2, v5;
	v5 =	vor.u32 $0x280, v1;
	v2 =	vld.idx.msk [tilespmem:v1+s14+$0x0], $0xffff  }
0x96: {  	v15 =	vor.u32 s26, v0;
	v13 =	vshll.u32 v13, $0x3;
	v10 =	vor.u32 $0x80, v9;
	v11 =	vld.idx.msk [tilespmem:v3+s14+$0x0], $0xffff  }
0x97: {  	v12 =	vor.u32 $0x100, v9;
	v17 =	vor.u32 $0x200, v9;
	v3 =	vor.u32 $0x300, v1;
	v14 =	vld.idx.msk [tilespmem:v4+s14+$0x0], $0xffff  }
0x98: {  	v18 =	vor.u32 $0x280, v9;
	v19 =	vor.u32 $0x300, v9;
	v1 =	vor.u32 $0x380, v1;
	v16 =	vld.idx.msk [tilespmem:v6+s14+$0x0], $0xffff  }
0x99: {  	s30 =	simm.s32 $0x0;
	v4 =	vor.u32 $0x180, v9;
	v6 =	vand.u32 $0x7F, v15;
	v15 =	vand.u32 $0x3C00, v13;
	v8 =	vld.idx.msk [tilespmem:v8+s14+$0x0], $0xffff  }
0x9a: {  	v22 =	vor.u32 $0x380, v9;
	v20 =	vld.idx.msk [tilespmem:v5+s14+$0x0], $0xffff;
	v5 =	vmov s30;
	v15 =	vor.u32 v6, v15  }
0x9b: {  	v10 =	vld.idx.msk [tilespmem:v10+s14+$0x0], $0xffff;
	v5 =	vshll.u32 v5, $0x3;
	v21 =	vor.u32 $0x80, v15;
	v24 =	vor.u32 $0x100, v15  }
0x9c: {  	v26 =	vor.u32 $0x180, v15;
	v28 =	vor.u32 $0x200, v15;
	v23 =	vld.idx.msk [tilespmem:v3+s14+$0x0], $0xffff;
	v3 =	vor.u32 s30, v0  }
0x9d: {  	v30 =	vor.u32 $0x280, v15;
	v25 =	vld.idx.msk [tilespmem:v1+s14+$0x0], $0xffff;
	v1 =	vand.u32 $0x6F, v3;
	v3 =	vand.u32 $0x3C00, v5  }
0x9e: {  	v31 =	vor.u32 $0x300, v15;
	v32 =	vld.idx.msk [tilespmem:v4+s14+$0x0], $0xffff;
	v4 =	vand.u32 $0x7F, v7;
	v29 =	vor.u32 v1, v3  }
0x9f: {  	v12 =	vld.idx.msk [tilespmem:v12+s14+$0x0], $0xffff;
	v1 =	vor.u32 v5, v1;
	v3 =	vshll.u32 v7, $0x3;
	v5 =	vor.u32 v6, v13  }
0xa0: {  	v33 =	vld.idx.msk [tilespmem:v17+s14+$0x0], $0xffff;
	[tilespmem:v15+s19+$0x0] =	vst.idx.msk $0xffff, v2;
	v3 =	vand.u32 $0xFFFFFC00, v3;
	v7 =	vor.u32 $0x80, v29;
	v13 =	vor.u32 $0x100, v29  }
0xa1: {  	v9 =	vld.idx.msk [tilespmem:v9+s14+$0x0], $0xffff;
	[tilespmem:v21+s19+$0x0] =	vst.idx.msk $0xffff, v11;
	v34 =	vor.u32 $0x380, v5;
	v35 =	vor.u32 $0x180, v29;
	v36 =	vor.u32 $0x200, v29  }
0xa2: {  	v5 =	vld.idx.msk [tilespmem:v18+s14+$0x0], $0xffff;
	v2 =	vor.u32 $0x300, v1;
	v1 =	vor.u32 $0x380, v1;
	[tilespmem:v24+s19+$0x0] =	vst.idx.msk $0xffff, v14;
	v17 =	vor.u32 v4, v3  }
0xa3: {  	v4 =	vld.idx.msk [tilespmem:v19+s14+$0x0], $0xffff;
	v19 =	vshll.u32 v27, $0x3;
	[tilespmem:v26+s19+$0x0] =	vst.idx.msk $0xffff, v16;
	v18 =	vor.u32 $0x80, v17;
	v15 =	vor.u32 $0x100, v17  }
0xa4: {  	v6 =	vld.idx.msk [tilespmem:v22+s14+$0x0], $0xffff;
	v16 =	vand.u32 $0xFFFFFC00, v19;
	v19 =	vmov s25;
	[tilespmem:v28+s19+$0x0] =	vst.idx.msk $0xffff, v8;
	v8 =	vor.u32 s25, v0;
	s25 =	simm.s32 $0x50  }
0xa5: {  	v14 =	vand.u32 $0x7F, v27;
	v3 =	vor.u32 $0x280, v29;
	v11 =	vor.u32 $0x180, v17;
	v39 =	vld [tilespmem:s25+$0x0]  }
0xa6: {  	v21 =	vor.u32 $0x200, v17;
	v24 =	vor.u32 $0x280, v17;
	v26 =	vor.u32 $0x300, v17;
	v41 =	vld [tilespmem:s25+$0xFFFFFFF0]  }
0xa7: {  	v19 =	vshll.u32 v19, $0x3;
	[tilespmem:v30+s19+$0x0] =	vst.idx.msk $0xffff, v20;
	v8 =	vand.u32 $0x7F, v8;
	v30 =	vor.u32 v14, v16;
	v22 =	vld.idx.msk [tilespmem:v17+s14+$0x0], $0xffff  }
0xa8: {  	s31 =	simm.s32 $0x20;
	v20 =	vand.u32 $0x3C00, v19;
	v27 =	vor.u32 $0x200, v30;
	[tilespmem:v29+s19+$0x0] =	vst.idx.msk $0xffff, v9;
	v29 =	vor.u32 $0x280, v30;
	v18 =	vld.idx.msk [tilespmem:v18+s14+$0x0], $0xffff  }
0xa9: {  	[tilespmem:v31+s19+$0x0] =	vst.idx.msk $0xffff, v23;
	v9 =	vor.u32 s31, v0;
	v14 =	vor.u32 v8, v20;
	v17 =	vor.u32 $0x380, v17;
	v15 =	vld.idx.msk [tilespmem:v15+s14+$0x0], $0xffff  }
0xaa: {  	[tilespmem:v34+s19+$0x0] =	vst.idx.msk $0xffff, v25;
	v20 =	vor.u32 $0x100, v30;
	v25 =	vor.u32 $0x180, v30;
	v23 =	vor.u32 $0x80, v14;
	v16 =	vld.idx.msk [tilespmem:v11+s14+$0x0], $0xffff  }
0xab: {  	[tilespmem:v7+s19+$0x0] =	vst.idx.msk $0xffff, v10;
	v7 =	vmov s31;
	v10 =	vand.u32 $0x6F, v9;
	v28 =	vor.u32 $0x100, v14;
	v21 =	vld.idx.msk [tilespmem:v21+s14+$0x0], $0xffff  }
0xac: {  	v63 =	vor.u32 $0x180, v14;
	[tilespmem:v13+s19+$0x0] =	vst.idx.msk $0xffff, v12;
	v7 =	vshll.u32 v7, $0x3;
	v11 =	vor.u32 $0x80, v30;
	v24 =	vld.idx.msk [tilespmem:v24+s14+$0x0], $0xffff  }
0xad: {  	v8 =	vor.u32 v8, v19;
	v37 =	vor.u32 $0x200, v14;
	v26 =	vld.idx.msk [tilespmem:v26+s14+$0x0], $0xffff;
	v9 =	vand.u32 $0x3C00, v7;
	[tilespmem:v35+s19+$0x0] =	vst.idx.msk $0xffff, v32  }
0xae: {  	v31 =	vor.u32 $0x300, v30;
	v40 =	vor.u32 $0x280, v14;
	v9 =	vor.u32 v10, v9;
	v38 =	vld.idx.msk [tilespmem:v17+s14+$0x0], $0xffff;
	[tilespmem:v14+s19+$0x0] =	vst.idx.msk $0xffff, v22  }
0xaf: {  	v19 =	vor.u32 $0x380, v30;
	v13 =	vor.u32 $0x80, v9;
	v12 =	vld.idx.msk [tilespmem:v20+s14+$0x0], $0xffff;
	[tilespmem:v23+s19+$0x0] =	vst.idx.msk $0xffff, v18;
	v23 =	vor.u32 $0x300, v14  }
0xb0: {  	v20 =	vand.u32 $0x7F, v39;
	v17 =	vor.u32 $0x280, v9;
	v22 =	vld.idx.msk [tilespmem:v25+s14+$0x0], $0xffff;
	v14 =	vor.u32 v7, v10;
	[tilespmem:v28+s19+$0x0] =	vst.idx.msk $0xffff, v15  }
0xb1: {  	v11 =	vld.idx.msk [tilespmem:v11+s14+$0x0], $0xffff;
	v10 =	vor.u32 $0x100, v9;
	v18 =	vshll.u32 v39, $0x3;
	v28 =	vor.u32 $0x380, v8;
	[tilespmem:v63+s19+$0x0] =	vst.idx.msk $0xffff, v16  }
0xb2: {  	v7 =	vor.u32 $0x200, v9;
	v8 =	vor.u32 $0x180, v9;
	v16 =	vld.idx.msk [tilespmem:v27+s14+$0x0], $0xffff;
	[tilespmem:v37+s19+$0x0] =	vst.idx.msk $0xffff, v21;
	v21 =	vand.u32 $0xFFFFFC00, v18  }
0xb3: {  	v15 =	vor.u32 $0x300, v14;
	v18 =	vld.idx.msk [tilespmem:v29+s14+$0x0], $0xffff;
	[tilespmem:v40+s19+$0x0] =	vst.idx.msk $0xffff, v24;
	v24 =	vshll.u32 v41, $0x3;
	v25 =	vor.u32 v20, v21  }
0xb4: {  	v21 =	vld.idx.msk [tilespmem:v31+s14+$0x0], $0xffff;
	[tilespmem:v23+s19+$0x0] =	vst.idx.msk $0xffff, v26;
	v23 =	vand.u32 $0x7F, v41;
	v20 =	vand.u32 $0xFFFFFC00, v24;
	v29 =	vor.u32 $0x80, v25  }
0xb5: {  	[tilespmem:v36+s19+$0x0] =	vst.idx.msk $0xffff, v33;
	v14 =	vor.u32 $0x380, v14;
	v27 =	vor.u32 $0x100, v25;
	v26 =	vld.idx.msk [tilespmem:v30+s14+$0x0], $0xffff;
	v24 =	vor.u32 v23, v20  }
0xb6: {  	s28 =	simm.s32 $0x70;
	s26 =	simm.s32 $0x4;
	[tilespmem:v28+s19+$0x0] =	vst.idx.msk $0xffff, v38;
	v20 =	vld.idx.msk [tilespmem:v19+s14+$0x0], $0xffff;
	v28 =	vor.u32 $0x180, v25;
	v23 =	vor.u32 $0x80, v24;
	v19 =	vor.u32 $0x100, v24  }
.LBB2_9:
0xb7: {  	v30 =	vld [tilespmem:s28+$0x0];
	s29 =	sadd.s32 $0xFFFFFFF0, s25;
	v31 =	vor.u32 $0x180, v24;
	v32 =	vmov s25;
	v33 =	vor.u32 $0x200, v25;
	[tilespmem:v3+s19+$0x0] =	vst.idx.msk $0xffff, v5;
	v3 =	vmovc v17;
	v34 =	vmovc v22  }
0xb8: {  	v38 =	vor.u32 s25, v0;
	v22 =	vor.u32 $0x280, v25;
	v17 =	vld.idx.msk [tilespmem:v25+s14+$0x0], $0xffff;
	v32 =	vshll.u32 v32, $0x3;
	[tilespmem:v2+s19+$0x0] =	vst.idx.msk $0xffff, v4;
	v2 =	vmovc v15  }
0xb9: {  	v35 =	vand.u32 $0x7F, v38;
	v15 =	vld.idx.msk [tilespmem:v29+s14+$0x0], $0xffff;
	v29 =	vor.u32 $0x300, v25;
	v40 =	vand.u32 $0x3C00, v32;
	[tilespmem:v1+s19+$0x0] =	vst.idx.msk $0xffff, v6;
	v1 =	vmovc v14  }
0xba: {  	v36 =	vor.u32 $0x200, v24;
	v37 =	vmovc v16;
	v5 =	vmovc v18;
	v25 =	vor.u32 $0x380, v25;
	v14 =	vld.idx.msk [tilespmem:v27+s14+$0x0], $0xffff;
	v27 =	vor.u32 v35, v40  }
0xbb: {  	v39 =	vmovc v24;
	v18 =	vor.u32 $0x280, v24;
	v38 =	vor.u32 $0x300, v24;
	v4 =	vmovc v21;
	v16 =	vld.idx.msk [tilespmem:v28+s14+$0x0], $0xffff;
	v28 =	vor.u32 $0x80, v27  }
0xbc: {  	v21 =	vmov s29;
	v40 =	vor.u32 $0x380, v39;
	v6 =	vmovc v20;
	v24 =	vld.idx.msk [tilespmem:v33+s14+$0x0], $0xffff;
	v33 =	vor.u32 $0x100, v27;
	[tilespmem:v9+s19+$0x0] =	vst.idx.msk $0xffff, v26  }
0xbd: {  	v20 =	vshll.u32 v21, $0x3;
	v9 =	vor.u32 s29, v0;
	v21 =	vld.idx.msk [tilespmem:v22+s14+$0x0], $0xffff;
	v22 =	vor.u32 $0x180, v27;
	[tilespmem:v13+s19+$0x0] =	vst.idx.msk $0xffff, v11  }
0xbe: {  	v11 =	vand.u32 $0x6F, v9;
	v9 =	vand.u32 $0x3C00, v20;
	v26 =	vld.idx.msk [tilespmem:v29+s14+$0x0], $0xffff;
	v29 =	vor.u32 $0x200, v27;
	[tilespmem:v10+s19+$0x0] =	vst.idx.msk $0xffff, v12  }
0xbf: {  	v9 =	vor.u32 v11, v9;
	v41 =	vld.idx.msk [tilespmem:v25+s14+$0x0], $0xffff;
	[tilespmem:v27+s19+$0x0] =	vst.idx.msk $0xffff, v17;
	v25 =	vor.u32 $0x280, v27  }
0xc0: {  	v20 =	vor.u32 v20, v11;
	v12 =	vor.u32 v35, v32;
	v27 =	vor.u32 $0x300, v27;
	v42 =	vld [tilespmem:s28+$0xFFFFFFF0];
	[tilespmem:v28+s19+$0x0] =	vst.idx.msk $0xffff, v15  }
0xc1: {  	v13 =	vor.u32 $0x80, v9;
	v10 =	vor.u32 $0x100, v9;
	v11 =	vld.idx.msk [tilespmem:v23+s14+$0x0], $0xffff;
	[tilespmem:v33+s19+$0x0] =	vst.idx.msk $0xffff, v14;
	v23 =	vor.u32 $0x380, v12  }
0xc2: {  	s26 =	sadd.s32 $0x2, s26;
	v32 =	vor.u32 $0x200, v9;
	v17 =	vor.u32 $0x280, v9;
	v12 =	vld.idx.msk [tilespmem:v19+s14+$0x0], $0xffff;
	v19 =	vor.u32 $0x180, v9;
	[tilespmem:v22+s19+$0x0] =	vst.idx.msk $0xffff, v16  }
0xc3: {  	p0 =	slt.u32 s26, $0x7E;
	v15 =	vor.u32 $0x300, v20;
	v14 =	vor.u32 $0x380, v20;
	v16 =	vshll.u32 v30, $0x3;
	v22 =	vld.idx.msk [tilespmem:v31+s14+$0x0], $0xffff;
	[tilespmem:v29+s19+$0x0] =	vst.idx.msk $0xffff, v24  }
.Ltmp6:
0xc4: {  	v20 =	vand.u32 $0x7F, v30;
	v24 =	vand.u32 $0xFFFFFC00, v16;
	v16 =	vld.idx.msk [tilespmem:v36+s14+$0x0], $0xffff;
	[tilespmem:v25+s19+$0x0] =	vst.idx.msk $0xffff, v21;
	(pc) =	sbr.rel @p0 .LBB2_9-.Ltmp6, $4  }
0xc5: {  	v25 =	vor.u32 v20, v24;
	v28 =	vand.u32 $0x7F, v42;
	v21 =	vshll.u32 v42, $0x3;
	v18 =	vld.idx.msk [tilespmem:v18+s14+$0x0], $0xffff;
	[tilespmem:v27+s19+$0x0] =	vst.idx.msk $0xffff, v26  }
0xc6: {  	v29 =	vor.u32 $0x80, v25;
	v20 =	vand.u32 $0xFFFFFC00, v21;
	v21 =	vld.idx.msk [tilespmem:v38+s14+$0x0], $0xffff;
	[tilespmem:v23+s19+$0x0] =	vst.idx.msk $0xffff, v41  }
0xc7: {  	v27 =	vor.u32 $0x100, v25;
	v24 =	vor.u32 v28, v20;
	v20 =	vld.idx.msk [tilespmem:v40+s14+$0x0], $0xffff;
	[tilespmem:v8+s19+$0x0] =	vst.idx.msk $0xffff, v34;
	v8 =	vmov v19  }
0xc8: {  	s25 =	sadd.s32 $0x20, s25;
	s28 =	sadd.s32 $0x20, s28;
	v28 =	vor.u32 $0x180, v25;
	v23 =	vor.u32 $0x80, v24;
	v19 =	vor.u32 $0x100, v24;
	v26 =	vld.idx.msk [tilespmem:v39+s14+$0x0], $0xffff;
	[tilespmem:v7+s19+$0x0] =	vst.idx.msk $0xffff, v37;
	v7 =	vmovc v32  }
0xc9: {  	_ =	sdelay $0x2  }
0xca: {  	v30 =	vor.u32 $0x200, v25;
	v31 =	vmov s25  }
0xcb: {  	v32 =	vld.idx.msk [tilespmem:v25+s14+$0x0], $0xffff;
	v33 =	vor.u32 $0x280, v25;
	v34 =	vor.u32 s25, v0;
	[tilespmem:v3+s19+$0x0] =	vst.idx.msk $0xffff, v5;
	v31 =	vshll.u32 v31, $0x3  }
0xcc: {  	v29 =	vld.idx.msk [tilespmem:v29+s14+$0x0], $0xffff;
	v35 =	vor.u32 $0x300, v25;
	v3 =	vand.u32 $0x7F, v34;
	[tilespmem:v2+s19+$0x0] =	vst.idx.msk $0xffff, v4;
	v40 =	vand.u32 $0x3C00, v31  }
0xcd: {  	v27 =	vld.idx.msk [tilespmem:v27+s14+$0x0], $0xffff;
	v41 =	vor.u32 $0x380, v25;
	[tilespmem:v1+s19+$0x0] =	vst.idx.msk $0xffff, v6;
	v2 =	vor.u32 v3, v40  }
0xce: {  	v42 =	vld.idx.msk [tilespmem:v28+s14+$0x0], $0xffff;
	v1 =	vor.u32 $0x80, v2;
	[tilespmem:v9+s19+$0x0] =	vst.idx.msk $0xffff, v26  }
0xcf: {  	v44 =	vor.u32 $0x100, v2;
	v43 =	vld.idx.msk [tilespmem:v30+s14+$0x0], $0xffff;
	[tilespmem:v13+s19+$0x0] =	vst.idx.msk $0xffff, v11  }
0xd0: {  	v46 =	vor.u32 $0x180, v2;
	v45 =	vld.idx.msk [tilespmem:v33+s14+$0x0], $0xffff;
	[tilespmem:v10+s19+$0x0] =	vst.idx.msk $0xffff, v12  }
0xd1: {  	v48 =	vor.u32 $0x200, v2;
	v47 =	vld.idx.msk [tilespmem:v35+s14+$0x0], $0xffff;
	[tilespmem:v8+s19+$0x0] =	vst.idx.msk $0xffff, v22  }
0xd2: {  	v50 =	vor.u32 $0x280, v2;
	v49 =	vld.idx.msk [tilespmem:v41+s14+$0x0], $0xffff;
	[tilespmem:v2+s19+$0x0] =	vst.idx.msk $0xffff, v32  }
0xd3: {  	[tilespmem:v1+s19+$0x0] =	vst.idx.msk $0xffff, v29;
	v1 =	vor.u32 $0x300, v2;
	v2 =	vor.u32 v3, v31  }
0xd4: {  	[tilespmem:v44+s19+$0x0] =	vst.idx.msk $0xffff, v27;
	v2 =	vor.u32 $0x380, v2  }
0xd5: {  	s31 =	sadd.s32 $0xFFFFFFF0, s25;
	v51 =	vor.u32 $0x200, v24;
	[tilespmem:v46+s19+$0x0] =	vst.idx.msk $0xffff, v42  }
0xd6: {  	v52 =	vor.u32 $0x280, v24;
	v53 =	vmov s31;
	[tilespmem:v48+s19+$0x0] =	vst.idx.msk $0xffff, v43  }
0xd7: {  	v54 =	vld.idx.msk [tilespmem:v23+s14+$0x0], $0xffff;
	v56 =	vor.u32 s31, v0;
	v6 =	vshll.u32 v53, $0x3;
	v3 =	vor.u32 $0x180, v24;
	[tilespmem:v50+s19+$0x0] =	vst.idx.msk $0xffff, v45  }
0xd8: {  	v55 =	vor.u32 $0x300, v24;
	v19 =	vld.idx.msk [tilespmem:v19+s14+$0x0], $0xffff;
	v57 =	vand.u32 $0x6F, v56;
	v58 =	vand.u32 $0x3C00, v6;
	[tilespmem:v1+s19+$0x0] =	vst.idx.msk $0xffff, v47  }
0xd9: {  	v59 =	vld.idx.msk [tilespmem:v24+s14+$0x0], $0xffff;
	v1 =	vor.u32 $0x380, v24;
	[tilespmem:v2+s19+$0x0] =	vst.idx.msk $0xffff, v49;
	v2 =	vor.u32 v57, v58  }
0xda: {  	v4 =	vld.idx.msk [tilespmem:v51+s14+$0x0], $0xffff;
	[tilespmem:v7+s19+$0x0] =	vst.idx.msk $0xffff, v16;
	v60 =	vor.u32 $0x80, v2  }
0xdb: {  	v5 =	vld.idx.msk [tilespmem:v52+s14+$0x0], $0xffff;
	[tilespmem:v17+s19+$0x0] =	vst.idx.msk $0xffff, v18;
	v61 =	vor.u32 $0x100, v2  }
0xdc: {  	[tilespmem:v15+s19+$0x0] =	vst.idx.msk $0xffff, v21;
	v3 =	vld.idx.msk [tilespmem:v3+s14+$0x0], $0xffff;
	v12 =	vor.u32 $0x180, v2  }
0xdd: {  	v9 =	vld.idx.msk [tilespmem:v55+s14+$0x0], $0xffff;
	[tilespmem:v14+s19+$0x0] =	vst.idx.msk $0xffff, v20;
	v62 =	vor.u32 $0x200, v2  }
0xde: {  	v6 =	vor.u32 v6, v57;
	v63 =	vor.u32 $0x280, v2;
	v1 =	vld.idx.msk [tilespmem:v1+s14+$0x0], $0xffff;
	[tilespmem:v2+s19+$0x0] =	vst.idx.msk $0xffff, v59  }
0xdf: {  	v2 =	vor.u32 $0x300, v6;
	[tilespmem:v60+s19+$0x0] =	vst.idx.msk $0xffff, v54  }
0xe0: {  	v6 =	vor.u32 $0x380, v6;
	[tilespmem:v61+s19+$0x0] =	vst.idx.msk $0xffff, v19  }
0xe1: {  	p0 =	seq.s32 s22, $0x1F;
	[tilespmem:v12+s19+$0x0] =	vst.idx.msk $0xffff, v3  }
.Ltmp7:
0xe2: {  	[tilespmem:v62+s19+$0x0] =	vst.idx.msk $0xffff, v4;
	(pc) =	sbr.rel @p0 .LBB2_12-.Ltmp7, $4  }
0xe3: {  	[tilespmem:v63+s19+$0x0] =	vst.idx.msk $0xffff, v5  }
0xe4: {  	[tilespmem:v2+s19+$0x0] =	vst.idx.msk $0xffff, v9  }
0xe5: {  	s24 =	sadd.s32 s11, s24;
	[tilespmem:v6+s19+$0x0] =	vst.idx.msk $0xffff, v1  }
0xe6: {  	[hbm4b:s24+s4] =	stream.linear.scatter [tilespmem:s19], [sflag:$0x4], $0x4000, $0x38;
	[tilespmem:$0x10800] =	vst v63  }
.Ltmp8:
0xe7: {  	(pc) =	sbr.rel .LBB2_2-.Ltmp8, $4  }
0xe8: {  	s23 =	sadd.s32 s23, s9  }
0xe9: {  	s23 =	sshll.u32 s23, $0xB  }
0xea: {  	s22 =	sadd.s32 $0x1, s22;
	s23 =	sadd.s32 s1, s23  }
0xeb: {  	[tilespmem:s14], [sflag:$0x2] =	stream.linear.gather [hbm4b:s23+s4], $0x4000, $0x38;
	[tilespmem:$0x10800] =	vst v63  }
.LBB2_13:
0xec: {  	_ =	sfence.sel $0x180000  }
0xed: {  	[bflag:$0x0] =	sbarrier.arrive $0xFFFF  }
0xee: {  	p0 =	sne.s32 s0, $0x0;
	_ =	strace $0x90000047  }
0xef: {  	s0 =	sadd.s32 @!p0 $0x100000, s2;
	[bflag:$0x2] =	sbarrier.arrive $0xFFFF  }
0xf0: {  	[sflag:s0] =	ssyncadd.tile.s32 @!p0 $0x1;
	_ =	shalt  }
.Lfunc_end2:
_tile_overlayer_lowered:
.L_overlay_start_2:
0xf1: {  	(tag) =	ssettag $0x2  }
0xf2: {  	s0 =	rddreg [dreg:$0x0];
	s2 =	stileid.u32  }
0xf3: {  	s1 =	rddreg [dreg:$0x1];
	p0 =	sne.s32 s2, $0x0  }
0xf4: {  	s3 =	rddreg [dreg:$0x2];
	[bflag:$0x3] =	sbarrier.arrive $0xFFFF;
	s2 =	simm.s32 @!p0 $0x1C05  }
0xf5: {  	[timem:s3], [sflag:s2] =	dma.local @!p0 [hbm:s0], s1  }
0xf6: {  	s0 =	simm.s32 @!p0 $0x5  }
0xf7: {  	_ =	swait.ge @!p0 [sflag:s0], s1  }
0xf8: {  	s1 =	ssub.s32 @!p0 $0x0, s1;
	[sflag:s0] =	ssyncset.done @!p0 $0x0  }
0xf9: {  	[sflag:s0] =	ssyncadd.s32 @!p0 s1  }
0xfa: {  	[bflag:$0x3] =	sbarrier.arrive $0xFFFF  }
0xfb: {  	_ =	shalt  }

</sc_bundles>
